<compile_context>
chip_gen: v7x
topology: tpu7x:2x2x1
jax: 0.10.2.dev20260603
libtpu: 0.0.44.dev20260713+nightly
codegen_flags: <defaults>
</compile_context>

<pallas_src>
import functools

import jax
import jax.numpy as jnp
from jax import lax
from jax.experimental import pallas as pl
from jax.experimental.pallas import tpu as pltpu
from jax.experimental.pallas import tpu_sc as plsc

_NC, _NS = 2, 16
_NW = _NC * _NS
_K = 80
_SQ_ITERS = 17
_P = 128
_CW = 16


def _leaky(v):
    return jnp.where(v >= 0, v, 0.2 * v)



def _sn_body(w_ref, out_ref):
    W = w_ref[0]
    r = lax.broadcasted_iota(jnp.int32, (_P, _P), 0)
    c = lax.broadcasted_iota(jnp.int32, (_P, _P), 1)
    eye = r == c
    B = lax.dot_general(W, W, (((1,), (1,)), ((), ())),
                        preferred_element_type=jnp.float32)
    tr0 = jnp.sum(jnp.where(eye, B, 0.0))
    Bh = B / (tr0 + 1e-30)

    def sq(_, M):
        M2 = jnp.dot(M, M, preferred_element_type=jnp.float32)
        t = jnp.sum(jnp.where(eye, M2, 0.0))
        return M2 / (t + 1e-30)

    C = lax.fori_loop(0, _SQ_ITERS, sq, Bh)
    lam = jnp.sum(C * B)
    sigma = jnp.sqrt(jnp.maximum(lam, 0.0))
    out_ref[0] = W / (sigma + 1e-12)


def _sn_all(Ws):
    nw = Ws.shape[0]
    return pl.pallas_call(
        _sn_body,
        grid=(nw,),
        in_specs=[pl.BlockSpec((1, _P, _P), lambda i: (i, 0, 0))],
        out_specs=pl.BlockSpec((1, _P, _P), lambda i: (i, 0, 0)),
        out_shape=jax.ShapeDtypeStruct((nw, _P, _P), jnp.float32),
    )(Ws)



def _npad(N):
    step = _NS * 8
    return ((N + step - 1) // step) * step


def _deg_counts(dst, N, E):
    e_per_w = E // _NW
    NR = _npad(N) // 128 * 1
    if NR * 128 < N:
        NR = (N + 127) // 128
    NR = ((NR + 7) // 8) * 8
    zeros = jnp.zeros((NR, 128), jnp.float32)
    mesh = plsc.VectorSubcoreMesh(core_axis_name="c", subcore_axis_name="s",
                                  num_cores=_NC, num_subcores=_NS)
    rows_per_out_tile = 8
    n_out_tiles = NR // rows_per_out_tile

    @functools.partial(
        pl.kernel,
        out_type=jax.ShapeDtypeStruct((_NC, NR, 128), jnp.float32),
        mesh=mesh,
        scratch_types=[
            pltpu.VMEM((e_per_w,), jnp.int32),
            pltpu.VMEM((NR, 128), jnp.float32),
            pltpu.VMEM((NR,), jnp.int32),
            pltpu.VMEM_SHARED((NR, 128), jnp.float32),
        ],
        compiler_params=pltpu.CompilerParams(needs_layout_passes=False),
    )
    def deg_kernel(dst_hbm, z_hbm, out_hbm, dst_v, cnt_v, iden_v, acc_sh):
        c = lax.axis_index("c")
        s = lax.axis_index("s")
        pltpu.sync_copy(z_hbm, cnt_v)

        @pl.when(s == 0)
        def _():
            pltpu.sync_copy(z_hbm, acc_sh)

        base = pl.multiple_of((c * _NS + s) * e_per_w, 8)
        pltpu.sync_copy(dst_hbm.at[pl.ds(base, e_per_w)], dst_v)

        def fill_iota(i, carry):
            iden_v[pl.ds(i * 16, 16)] = lax.iota(jnp.int32, 16) + i * 16
            return carry

        lax.fori_loop(0, NR // 16, fill_iota, 0)

        def body(j, carry):
            idx = dst_v[pl.ds(j * 16, 16)]
            cnts, last = plsc.scan_count(idx)
            row = lax.shift_right_logical(idx, 7)
            col = lax.bitwise_and(idx, 127)
            plsc.addupdate_scatter(cnt_v, [row, col],
                                   cnts.astype(jnp.float32), mask=last)
            return carry

        lax.fori_loop(0, e_per_w // 16, body, 0)
        plsc.subcore_barrier()
        pltpu.sync_copy(cnt_v, acc_sh.at[iden_v], add=True)
        plsc.subcore_barrier()

        @pl.when(s < n_out_tiles)
        def _():
            pltpu.sync_copy(
                acc_sh.at[pl.ds(s * rows_per_out_tile, rows_per_out_tile)],
                out_hbm.at[c, pl.ds(s * rows_per_out_tile,
                                    rows_per_out_tile)])

    return deg_kernel(dst, zeros)



def _aggregate(hp, src, dst, N, E, D):
    e_per_w = E // _NW
    n_chunks = e_per_w // _K
    assert n_chunks >= 2
    n_pairs = (n_chunks + 1) // 2
    NP = _npad(N)
    rpt = NP // _NS
    zeros = jnp.zeros((rpt, D), jnp.float32)
    mesh = plsc.VectorSubcoreMesh(core_axis_name="c", subcore_axis_name="s",
                                  num_cores=_NC, num_subcores=_NS)

    @functools.partial(
        pl.kernel,
        out_type=jax.ShapeDtypeStruct((_NC, NP, D), jnp.float32),
        mesh=mesh,
        scratch_types=[
            pltpu.VMEM((_K,), jnp.int32),
            pltpu.VMEM((_K,), jnp.int32),
            pltpu.VMEM((_K,), jnp.int32),
            pltpu.VMEM((_K,), jnp.int32),
            pltpu.VMEM((_K, D), jnp.float32),
            pltpu.VMEM((_K, D), jnp.float32),
            pltpu.VMEM_SHARED((NP, D), jnp.float32),
            pltpu.SemaphoreType.DMA,
            pltpu.SemaphoreType.DMA,
            pltpu.SemaphoreType.DMA,
            pltpu.SemaphoreType.DMA,
            pltpu.SemaphoreType.DMA,
            pltpu.SemaphoreType.DMA,
        ],
    )
    def agg_kernel(hp_hbm, src_hbm, dst_hbm, z_hbm, out_hbm,
                   src_a, dst_a, src_b, dst_b, rows_a, rows_b, acc_sh,
                   sem_sa, sem_da, sem_sb, sem_db, sem_ga, sem_gb):
        c = lax.axis_index("c")
        s = lax.axis_index("s")
        ebase = (c * _NS + s) * e_per_w

        def i_start(j, sv, dv, ss, ds_):
            base = pl.multiple_of(ebase + j * _K, 8)
            pltpu.async_copy(src_hbm.at[pl.ds(base, _K)], sv, ss)
            pltpu.async_copy(dst_hbm.at[pl.ds(base, _K)], dv, ds_)

        def i_wait(sv, dv, ss, ds_):
            pltpu.make_async_copy(src_hbm.at[pl.ds(0, _K)], sv, ss).wait()
            pltpu.make_async_copy(dst_hbm.at[pl.ds(0, _K)], dv, ds_).wait()

        def g_start(sv, rows, sem):
            pltpu.async_copy(hp_hbm.at[sv], rows, sem)

        def g_wait(rows, sem):
            pltpu.make_async_copy(hp_hbm.at[src_a], rows, sem).wait()

        bufs = ((src_a, dst_a, sem_sa, sem_da, rows_a, sem_ga),
                (src_b, dst_b, sem_sb, sem_db, rows_b, sem_gb))

        i_start(0, src_a, dst_a, sem_sa, sem_da)
        i_start(1, src_b, dst_b, sem_sb, sem_db)
        pltpu.sync_copy(z_hbm, acc_sh.at[pl.ds(s * rpt, rpt)])
        i_wait(src_a, dst_a, sem_sa, sem_da)
        plsc.subcore_barrier()
        g_start(src_a, rows_a, sem_ga)

        def body(i, carry):
            j0 = i * 2
            for p in range(2):
                j = j0 + p
                cur = bufs[p]
                oth = bufs[1 - p]

                @pl.when(j < n_chunks)
                def _():
                    @pl.when(j + 1 < n_chunks)
                    def _():
                        i_wait(oth[0], oth[1], oth[2], oth[3])
                        g_start(oth[0], oth[4], oth[5])

                    g_wait(cur[4], cur[5])
                    pltpu.sync_copy(cur[4], acc_sh.at[cur[1]], add=True)

                    @pl.when(j + 2 < n_chunks)
                    def _():
                        i_start(j + 2, cur[0], cur[1], cur[2], cur[3])

            return carry

        lax.fori_loop(0, n_pairs, body, 0)
        plsc.subcore_barrier()
        pltpu.sync_copy(acc_sh.at[pl.ds(s * rpt, rpt)],
                        out_hbm.at[c, pl.ds(s * rpt, rpt)])

    return agg_kernel(hp, src, dst, zeros)



def _dis_from_cnt(cnt):
    deg = cnt[0, :, 0] + cnt[1, :, 0] + 1.0
    return lax.rsqrt(deg)[:, None]


def _mm_scale_body(x_ref, w_ref, cnt_ref, out_ref):
    dis = _dis_from_cnt(cnt_ref[...])
    h = lax.dot_general(x_ref[...], w_ref[...], (((1,), (1,)), ((), ())),
                        preferred_element_type=jnp.float32)
    out_ref[...] = h * dis


def _layer1_premul(x, W1n, cnt, blk):
    N, D = x.shape
    grid = N // blk
    return pl.pallas_call(
        _mm_scale_body,
        grid=(grid,),
        in_specs=[
            pl.BlockSpec((blk, D), lambda i: (i, 0)),
            pl.BlockSpec(W1n.shape, lambda i: (0, 0)),
            pl.BlockSpec((_NC, blk, 1), lambda i: (0, i, 0)),
        ],
        out_specs=pl.BlockSpec((blk, W1n.shape[0]), lambda i: (i, 0)),
        out_shape=jax.ShapeDtypeStruct((N, W1n.shape[0]), jnp.float32),
    )(x, W1n, cnt)


def _layer2_body(p_ref, hp_ref, cnt_ref, b_ref, w_ref, out_ref):
    dis = _dis_from_cnt(cnt_ref[...])
    agg = p_ref[0] + p_ref[1] + hp_ref[...]
    o1 = _leaky(agg * dis + b_ref[...])
    h2 = lax.dot_general(o1, w_ref[...], (((1,), (1,)), ((), ())),
                         preferred_element_type=jnp.float32)
    out_ref[...] = h2 * dis


def _layer2_premul(p, hp, cnt, b1, W2n, blk):
    N, D = hp.shape
    grid = N // blk
    return pl.pallas_call(
        _layer2_body,
        grid=(grid,),
        in_specs=[
            pl.BlockSpec((_NC, blk, D), lambda i: (0, i, 0)),
            pl.BlockSpec((blk, D), lambda i: (i, 0)),
            pl.BlockSpec((_NC, blk, 1), lambda i: (0, i, 0)),
            pl.BlockSpec((1, D), lambda i: (0, 0)),
            pl.BlockSpec(W2n.shape, lambda i: (0, 0)),
        ],
        out_specs=pl.BlockSpec((blk, W2n.shape[0]), lambda i: (i, 0)),
        out_shape=jax.ShapeDtypeStruct((N, W2n.shape[0]), jnp.float32),
    )(p, hp, cnt, b1, W2n)


def _final_body(p_ref, hp_ref, cnt_ref, b_ref, m1_ref, m2_ref, m3_ref,
                mb_ref, out_ref, acc_ref, *, n_nodes):
    i = pl.program_id(0)

    @pl.when(i == 0)
    def _():
        acc_ref[...] = jnp.zeros_like(acc_ref)

    dis = _dis_from_cnt(cnt_ref[...])
    o2 = _leaky((p_ref[0] + p_ref[1] + hp_ref[...]) * dis + b_ref[...])
    acc_ref[...] += jnp.sum(o2, axis=0, keepdims=True)

    @pl.when(i == pl.num_programs(0) - 1)
    def _():
        g = acc_ref[...] / n_nodes
        a = _leaky(lax.dot_general(g, m1_ref[...], (((1,), (1,)), ((), ())),
                                   preferred_element_type=jnp.float32)
                   + mb_ref[0:1])
        a = _leaky(lax.dot_general(a, m2_ref[...], (((1,), (1,)), ((), ())),
                                   preferred_element_type=jnp.float32)
                   + mb_ref[1:2])
        a = (lax.dot_general(a, m3_ref[...], (((1,), (1,)), ((), ())),
                             preferred_element_type=jnp.float32)
             + mb_ref[2:3])
        out_ref[...] = a[0:1, 0:1]


def _final(p, hp, cnt, b2, M1n, M2n, M3n, mb, blk):
    N, D = hp.shape
    grid = N // blk
    return pl.pallas_call(
        functools.partial(_final_body, n_nodes=N),
        grid=(grid,),
        in_specs=[
            pl.BlockSpec((_NC, blk, D), lambda i: (0, i, 0)),
            pl.BlockSpec((blk, D), lambda i: (i, 0)),
            pl.BlockSpec((_NC, blk, 1), lambda i: (0, i, 0)),
            pl.BlockSpec((1, D), lambda i: (0, 0)),
            pl.BlockSpec((_P, _P), lambda i: (0, 0)),
            pl.BlockSpec((_P, _P), lambda i: (0, 0)),
            pl.BlockSpec((_P, _P), lambda i: (0, 0)),
            pl.BlockSpec((3, _P), lambda i: (0, 0)),
        ],
        out_specs=pl.BlockSpec((1, 1), lambda i: (0, 0)),
        out_shape=jax.ShapeDtypeStruct((1, 1), jnp.float32),
        scratch_shapes=[pltpu.VMEM((1, _P), jnp.float32)],
    )(p, hp, cnt, b2, M1n, M2n, M3n, mb)



def kernel(x, edge_index, W1, b1, W2, b2, M1w, M1b, M2w, M2b, M3w, M3b):
    N, D = x.shape
    E = edge_index.shape[1]
    f32 = jnp.float32
    x = x.astype(f32)

    def padw(w):
        return jnp.zeros((_P, _P), f32).at[:w.shape[0], :w.shape[1]].set(w)

    Ws = jnp.stack([padw(W1), padw(W2), padw(M1w), padw(M2w), padw(M3w)])
    Wn = _sn_all(Ws)
    W1n = Wn[0, :W1.shape[0], :W1.shape[1]]
    W2n = Wn[1, :W2.shape[0], :W2.shape[1]]
    M1n, M2n, M3n = Wn[2], Wn[3], Wn[4]
    mb = jnp.zeros((3, _P), f32)
    mb = mb.at[0, :M1b.shape[0]].set(M1b)
    mb = mb.at[1, :M2b.shape[0]].set(M2b)
    mb = mb.at[2, :M3b.shape[0]].set(M3b)

    blk = 2000
    src = edge_index[0]
    dst = edge_index[1]
    cnt = _deg_counts(dst, N, E).reshape(_NC, -1, 1)
    h1p = _layer1_premul(x, W1n, cnt, blk)
    p1 = _aggregate(h1p, src, dst, N, E, W1n.shape[0])
    h2p = _layer2_premul(p1, h1p, cnt, b1[None, :], W2n, blk)
    p2 = _aggregate(h2p, src, dst, N, E, W2n.shape[0])
    return _final(p2, h2p, cnt, b2[None, :], M1n, M2n, M3n, mb, blk)

# --- scband reference (transcript-rebuilt; emitter-appended) ---
"""Pipeline reference for scband-mfg4-adcritic-17497696764531 (READ-ONLY COPY).

The authoritative reference and input builder live on the scoring server;
editing this copy changes nothing except your own understanding.
"""

import jax, jax.numpy as jnp
import numpy as np

N = 10000
E = 320000
D = 128
H1 = 128
H2 = 128
M1 = 64
M2 = 32


def _sn(W):
    # spectral normalization: divide by largest singular value (torch SN power-iteration limit)
    sigma = jnp.linalg.norm(W, ord=2)
    return W / (sigma + 1e-12)


def _gcn_layer(x, src, dst, W, b):
    # PyG GCNConv: lin (spectral-normalized, no bias) -> symmetric norm aggregate -> + bias
    Wn = _sn(W)
    h = x @ Wn.T
    n = x.shape[0]
    deg = jnp.zeros((n,), dtype=h.dtype).at[dst].add(1.0)
    dis = jnp.where(deg > 0, deg ** -0.5, 0.0)
    norm = dis[src] * dis[dst]
    msg = h[src] * norm[:, None]
    out = jnp.zeros_like(h).at[dst].add(msg)
    return out + b


def setup_inputs(seed: int = 0) -> dict:
    key = jax.random.key(seed)
    ks = jax.random.split(key, 16)
    x = jax.random.normal(ks[0], (N, D), dtype=jnp.float32)
    edge_index = jax.random.randint(ks[1], (2, E), 0, N, dtype=jnp.int32)
    s = 0.05
    W1 = jax.random.normal(ks[2], (H1, D), dtype=jnp.float32) * s
    b1 = jnp.zeros((H1,), dtype=jnp.float32)
    W2 = jax.random.normal(ks[3], (H2, H1), dtype=jnp.float32) * s
    b2 = jnp.zeros((H2,), dtype=jnp.float32)
    M1w = jax.random.normal(ks[4], (M1, H2), dtype=jnp.float32) * s
    M1b = jnp.zeros((M1,), dtype=jnp.float32)
    M2w = jax.random.normal(ks[5], (M2, M1), dtype=jnp.float32) * s
    M2b = jnp.zeros((M2,), dtype=jnp.float32)
    M3w = jax.random.normal(ks[6], (1, M2), dtype=jnp.float32) * s
    M3b = jnp.zeros((1,), dtype=jnp.float32)
    return {"x": x, "edge_index": edge_index, "W1": W1, "b1": b1, "W2": W2, "b2": b2,
            "M1w": M1w, "M1b": M1b, "M2w": M2w, "M2b": M2b, "M3w": M3w, "M3b": M3b}


def reference(x, edge_index, W1, b1, W2, b2, M1w, M1b, M2w, M2b, M3w, M3b):
    n = x.shape[0]
    loops = jnp.arange(n, dtype=edge_index.dtype)
    src = jnp.concatenate([edge_index[0], loops])
    dst = jnp.concatenate([edge_index[1], loops])
    h = _gcn_layer(x, src, dst, W1, b1)
    h = jax.nn.leaky_relu(h, 0.2)
    h = _gcn_layer(h, src, dst, W2, b2)
    h = jax.nn.leaky_relu(h, 0.2)
    # global_mean_pool with batch=None -> single graph mean
    g = jnp.mean(h, axis=0, keepdims=True)
    g = jax.nn.leaky_relu(g @ _sn(M1w).T + M1b, 0.2)
    g = jax.nn.leaky_relu(g @ _sn(M2w).T + M2b, 0.2)
    score = g @ _sn(M3w).T + M3b
    return score

if __name__ == "__main__":
    import jax
    _d = setup_inputs()
    print(jax.jit(kernel)(*tuple(_d.values())))

</pallas_src>

<mosaic_0001>
#map = affine_map<(d0, d1) -> (0, 0)>
#map1 = affine_map<(d0, d1) -> (0)>
#map2 = affine_map<(d0, d1) -> (0, 0, 0)>
module attributes {stable_mosaic.version = 14 : i64} {
  func.func @agg_kernel(%arg0: i32, %arg1: i32, %arg2: memref<10000x128xf32, #tpu.memory_space<hbm>>, %arg3: memref<320000xi32, #tpu.memory_space<hbm>>, %arg4: memref<320000xi32, #tpu.memory_space<hbm>>, %arg5: memref<632x128xf32, #tpu.memory_space<hbm>>, %arg6: memref<2x10112x128xf32, #tpu.memory_space<hbm>>, %arg7: memref<80xi32, #tpu.memory_space<vmem>>, %arg8: memref<80xi32, #tpu.memory_space<vmem>>, %arg9: memref<80xi32, #tpu.memory_space<vmem>>, %arg10: memref<80xi32, #tpu.memory_space<vmem>>, %arg11: memref<80x128xf32, #tpu.memory_space<vmem>>, %arg12: memref<80x128xf32, #tpu.memory_space<vmem>>, %arg13: memref<10112x128xf32, #tpu.memory_space<vmem_shared>>, %arg14: memref<!tpu.dma_semaphore, #tpu.memory_space<semaphore_mem>>, %arg15: memref<!tpu.dma_semaphore, #tpu.memory_space<semaphore_mem>>, %arg16: memref<!tpu.dma_semaphore, #tpu.memory_space<semaphore_mem>>, %arg17: memref<!tpu.dma_semaphore, #tpu.memory_space<semaphore_mem>>, %arg18: memref<!tpu.dma_semaphore, #tpu.memory_space<semaphore_mem>>, %arg19: memref<!tpu.dma_semaphore, #tpu.memory_space<semaphore_mem>>) attributes {dimension_semantics = [#tpu.dimension_semantics<core_parallel>, #tpu.dimension_semantics<subcore_parallel>], iteration_bounds = array<i64: 2, 16>, scalar_prefetch = 0 : i64, scratch_operands = 13 : i64, tpu.core_type = #tpu.core_type<sc_vector_subcore>, window_params = [{transform_indices = #map}, {transform_indices = #map1}, {transform_indices = #map1}, {transform_indices = #map}, {transform_indices = #map2}]} {
    %mul3A = arith.constant 16 : i32
    %mul3A_0 = arith.muli %arg0, %mul3A : i32
    %add3A = arith.addi %mul3A_0, %arg1 : i32
    %mul3A_1 = arith.constant 10000 : i32
    %mul3A_2 = arith.muli %add3A, %mul3A_1 : i32
    %add3A_3 = arith.constant 0 : i32
    %add3A_4 = arith.addi %mul3A_2, %add3A_3 : i32
    %multiple_of3A = tpu.assume_multiple %add3A_4, 8 : i32
    %dma_start3A = tpu.memref_slice %arg3[%multiple_of3A] : memref<320000xi32, #tpu.memory_space<hbm>> -> memref<80xi32, #tpu.memory_space<hbm>>
    %dma_start3A_5 = tpu.memref_slice %arg3[%multiple_of3A] : memref<320000xi32, #tpu.memory_space<hbm>> -> memref<80xi32, #tpu.memory_space<hbm>>
    tpu.enqueue_dma source(%dma_start3A_5 : memref<80xi32, #tpu.memory_space<hbm>>) target(%arg7 : memref<80xi32, #tpu.memory_space<vmem>>) target_semaphore(%arg14 : memref<!tpu.dma_semaphore, #tpu.memory_space<semaphore_mem>>)
    %dma_start3A_6 = tpu.memref_slice %arg4[%multiple_of3A] : memref<320000xi32, #tpu.memory_space<hbm>> -> memref<80xi32, #tpu.memory_space<hbm>>
    %dma_start3A_7 = tpu.memref_slice %arg4[%multiple_of3A] : memref<320000xi32, #tpu.memory_space<hbm>> -> memref<80xi32, #tpu.memory_space<hbm>>
    tpu.enqueue_dma source(%dma_start3A_7 : memref<80xi32, #tpu.memory_space<hbm>>) target(%arg8 : memref<80xi32, #tpu.memory_space<vmem>>) target_semaphore(%arg15 : memref<!tpu.dma_semaphore, #tpu.memory_space<semaphore_mem>>)
    %add3A_8 = arith.constant 80 : i32
    %add3A_9 = arith.addi %mul3A_2, %add3A_8 : i32
    %multiple_of3A_10 = tpu.assume_multiple %add3A_9, 8 : i32
    %dma_start3A_11 = tpu.memref_slice %arg3[%multiple_of3A_10] : memref<320000xi32, #tpu.memory_space<hbm>> -> memref<80xi32, #tpu.memory_space<hbm>>
    %dma_start3A_12 = tpu.memref_slice %arg3[%multiple_of3A_10] : memref<320000xi32, #tpu.memory_space<hbm>> -> memref<80xi32, #tpu.memory_space<hbm>>
    tpu.enqueue_dma source(%dma_start3A_12 : memref<80xi32, #tpu.memory_space<hbm>>) target(%arg9 : memref<80xi32, #tpu.memory_space<vmem>>) target_semaphore(%arg16 : memref<!tpu.dma_semaphore, #tpu.memory_space<semaphore_mem>>)
    %dma_start3A_13 = tpu.memref_slice %arg4[%multiple_of3A_10] : memref<320000xi32, #tpu.memory_space<hbm>> -> memref<80xi32, #tpu.memory_space<hbm>>
    %dma_start3A_14 = tpu.memref_slice %arg4[%multiple_of3A_10] : memref<320000xi32, #tpu.memory_space<hbm>> -> memref<80xi32, #tpu.memory_space<hbm>>
    tpu.enqueue_dma source(%dma_start3A_14 : memref<80xi32, #tpu.memory_space<hbm>>) target(%arg10 : memref<80xi32, #tpu.memory_space<vmem>>) target_semaphore(%arg17 : memref<!tpu.dma_semaphore, #tpu.memory_space<semaphore_mem>>)
    %mul3A_15 = arith.constant 632 : i32
    %mul3A_16 = arith.muli %arg1, %mul3A_15 : i32
    "tpu.region"() ({
      %run_scoped3A = tpu.sem_alloc : memref<!tpu.dma_semaphore, #tpu.memory_space<semaphore_mem>>
      %dma_start3A_37 = arith.constant 0 : i32
      %dma_start3A_38 = tpu.memref_slice %arg13[%mul3A_16, %dma_start3A_37] : memref<10112x128xf32, #tpu.memory_space<vmem_shared>> -> memref<632x128xf32, #tpu.memory_space<vmem_shared>>
      tpu.enqueue_dma source(%arg5 : memref<632x128xf32, #tpu.memory_space<hbm>>) target(%dma_start3A_38 : memref<632x128xf32, #tpu.memory_space<vmem_shared>>) target_semaphore(%run_scoped3A : memref<!tpu.dma_semaphore, #tpu.memory_space<semaphore_mem>>)
      %dma_wait3A_39 = arith.constant 0 : i32
      %dma_wait3A_40 = tpu.memref_slice %arg13[%mul3A_16, %dma_wait3A_39] : memref<10112x128xf32, #tpu.memory_space<vmem_shared>> -> memref<632x128xf32, #tpu.memory_space<vmem_shared>>
      tpu.wait_dma2 semaphore(%run_scoped3A : memref<!tpu.dma_semaphore, #tpu.memory_space<semaphore_mem>>) src(%arg5 : memref<632x128xf32, #tpu.memory_space<hbm>>) dst(%dma_wait3A_40 : memref<632x128xf32, #tpu.memory_space<vmem_shared>>)
      tpu.yield
    }) : () -> ()
    %dma_wait3A = arith.constant 0 : i32
    %dma_wait3A_17 = tpu.memref_slice %arg3[%dma_wait3A] : memref<320000xi32, #tpu.memory_space<hbm>> -> memref<80xi32, #tpu.memory_space<hbm>>
    %dma_wait3A_18 = arith.constant 0 : i32
    %dma_wait3A_19 = tpu.memref_slice %arg3[%dma_wait3A_18] : memref<320000xi32, #tpu.memory_space<hbm>> -> memref<80xi32, #tpu.memory_space<hbm>>
    tpu.wait_dma2 semaphore(%arg14 : memref<!tpu.dma_semaphore, #tpu.memory_space<semaphore_mem>>) src(%dma_wait3A_19 : memref<80xi32, #tpu.memory_space<hbm>>) dst(%arg7 : memref<80xi32, #tpu.memory_space<vmem>>)
    %dma_wait3A_20 = arith.constant 0 : i32
    %dma_wait3A_21 = tpu.memref_slice %arg4[%dma_wait3A_20] : memref<320000xi32, #tpu.memory_space<hbm>> -> memref<80xi32, #tpu.memory_space<hbm>>
    %dma_wait3A_22 = arith.constant 0 : i32
    %dma_wait3A_23 = tpu.memref_slice %arg4[%dma_wait3A_22] : memref<320000xi32, #tpu.memory_space<hbm>> -> memref<80xi32, #tpu.memory_space<hbm>>
    tpu.wait_dma2 semaphore(%arg15 : memref<!tpu.dma_semaphore, #tpu.memory_space<semaphore_mem>>) src(%dma_wait3A_23 : memref<80xi32, #tpu.memory_space<hbm>>) dst(%arg8 : memref<80xi32, #tpu.memory_space<vmem>>)
    %barrier3A = arith.constant 0 : index
    tpu.barrier barrier_id(%barrier3A)
    %dma_start3A_24 = arith.constant 0 : i32
    %dma_start3A_25 = arith.constant 0 : i32
    %dma_start3A_26 = tpu.memref_slice %arg2[%dma_start3A_24, %dma_start3A_25] : memref<10000x128xf32, #tpu.memory_space<hbm>> -> memref<10000x128xf32, #tpu.memory_space<hbm>>
    tpu.enqueue_indirect_dma source(%dma_start3A_26 : memref<10000x128xf32, #tpu.memory_space<hbm>>) target(%arg11 : memref<80x128xf32, #tpu.memory_space<vmem>>) offsets(%arg7 : memref<80xi32, #tpu.memory_space<vmem>>) semaphore(%arg18 : memref<!tpu.dma_semaphore, #tpu.memory_space<semaphore_mem>>)
    %scan3A = arith.constant 0 : i32
    %scan3A_27 = arith.constant 0 : i32
    %scan3A_28 = arith.constant 63 : i32
    %scan3A_29 = arith.addi %scan3A_27, %scan3A_28 : i32
    %scan3A_30 = arith.constant 1 : i32
    scf.for %scan3A_37 = %scan3A_27 to %scan3A_29 step %scan3A_30  : i32 {
      %mul3A_38 = arith.constant 2 : i32
      %mul3A_39 = arith.muli %scan3A_37, %mul3A_38 : i32
      %add3A_40 = arith.constant 0 : i32
      %add3A_41 = arith.addi %mul3A_39, %add3A_40 : i32
      %lt3A = arith.constant 125 : i32
      %lt3A_42 = arith.cmpi slt, %add3A_41, %lt3A : i32
      %convert_element_type3A = arith.extui %lt3A_42 : i1 to i32
      %cond3A = arith.constant 0 : i32
      %cond3A_43 = arith.cmpi ne, %convert_element_type3A, %cond3A : i32
      scf.if %cond3A_43 {
        %add3A_51 = arith.constant 1 : i32
        %add3A_52 = arith.addi %add3A_41, %add3A_51 : i32
        %lt3A_53 = arith.constant 125 : i32
        %lt3A_54 = arith.cmpi slt, %add3A_52, %lt3A_53 : i32
        %convert_element_type3A_55 = arith.extui %lt3A_54 : i1 to i32
        %cond3A_56 = arith.constant 0 : i32
        %cond3A_57 = arith.cmpi ne, %convert_element_type3A_55, %cond3A_56 : i32
        scf.if %cond3A_57 {
          %dma_wait3A_68 = arith.constant 0 : i32
          %dma_wait3A_69 = tpu.memref_slice %arg3[%dma_wait3A_68] : memref<320000xi32, #tpu.memory_space<hbm>> -> memref<80xi32, #tpu.memory_space<hbm>>
          %dma_wait3A_70 = arith.constant 0 : i32
          %dma_wait3A_71 = tpu.memref_slice %arg3[%dma_wait3A_70] : memref<320000xi32, #tpu.memory_space<hbm>> -> memref<80xi32, #tpu.memory_space<hbm>>
          tpu.wait_dma2 semaphore(%arg16 : memref<!tpu.dma_semaphore, #tpu.memory_space<semaphore_mem>>) src(%dma_wait3A_71 : memref<80xi32, #tpu.memory_space<hbm>>) dst(%arg9 : memref<80xi32, #tpu.memory_space<vmem>>)
          %dma_wait3A_72 = arith.constant 0 : i32
          %dma_wait3A_73 = tpu.memref_slice %arg4[%dma_wait3A_72] : memref<320000xi32, #tpu.memory_space<hbm>> -> memref<80xi32, #tpu.memory_space<hbm>>
          %dma_wait3A_74 = arith.constant 0 : i32
          %dma_wait3A_75 = tpu.memref_slice %arg4[%dma_wait3A_74] : memref<320000xi32, #tpu.memory_space<hbm>> -> memref<80xi32, #tpu.memory_space<hbm>>
          tpu.wait_dma2 semaphore(%arg17 : memref<!tpu.dma_semaphore, #tpu.memory_space<semaphore_mem>>) src(%dma_wait3A_75 : memref<80xi32, #tpu.memory_space<hbm>>) dst(%arg10 : memref<80xi32, #tpu.memory_space<vmem>>)
          %dma_start3A_76 = arith.constant 0 : i32
          %dma_start3A_77 = arith.constant 0 : i32
          %dma_start3A_78 = tpu.memref_slice %arg2[%dma_start3A_76, %dma_start3A_77] : memref<10000x128xf32, #tpu.memory_space<hbm>> -> memref<10000x128xf32, #tpu.memory_space<hbm>>
          tpu.enqueue_indirect_dma source(%dma_start3A_78 : memref<10000x128xf32, #tpu.memory_space<hbm>>) target(%arg12 : memref<80x128xf32, #tpu.memory_space<vmem>>) offsets(%arg9 : memref<80xi32, #tpu.memory_space<vmem>>) semaphore(%arg19 : memref<!tpu.dma_semaphore, #tpu.memory_space<semaphore_mem>>)
        } else {
        }
        %dma_wait3A_58 = arith.constant 0 : i32
        %dma_wait3A_59 = arith.constant 0 : i32
        %dma_wait3A_60 = tpu.memref_slice %arg2[%dma_wait3A_58, %dma_wait3A_59] : memref<10000x128xf32, #tpu.memory_space<hbm>> -> memref<10000x128xf32, #tpu.memory_space<hbm>>
        tpu.wait_indirect_dma semaphore(%arg18 : memref<!tpu.dma_semaphore, #tpu.memory_space<semaphore_mem>>) src(%dma_wait3A_60 : memref<10000x128xf32, #tpu.memory_space<hbm>>) dst(%arg11 : memref<80x128xf32, #tpu.memory_space<vmem>>)
        "tpu.region"() ({
          %run_scoped3A = tpu.sem_alloc : memref<!tpu.dma_semaphore, #tpu.memory_space<semaphore_mem>>
          %dma_start3A_68 = arith.constant 0 : i32
          %dma_start3A_69 = arith.constant 0 : i32
          %dma_start3A_70 = tpu.memref_slice %arg13[%dma_start3A_68, %dma_start3A_69] : memref<10112x128xf32, #tpu.memory_space<vmem_shared>> -> memref<10112x128xf32, #tpu.memory_space<vmem_shared>>
          tpu.enqueue_indirect_dma source(%arg11 : memref<80x128xf32, #tpu.memory_space<vmem>>) target(%dma_start3A_70 : memref<10112x128xf32, #tpu.memory_space<vmem_shared>>) offsets(%arg8 : memref<80xi32, #tpu.memory_space<vmem>>) semaphore(%run_scoped3A : memref<!tpu.dma_semaphore, #tpu.memory_space<semaphore_mem>>) {add = true}
          %dma_wait3A_71 = arith.constant 0 : i32
          %dma_wait3A_72 = arith.constant 0 : i32
          %dma_wait3A_73 = tpu.memref_slice %arg13[%dma_wait3A_71, %dma_wait3A_72] : memref<10112x128xf32, #tpu.memory_space<vmem_shared>> -> memref<10112x128xf32, #tpu.memory_space<vmem_shared>>
          tpu.wait_indirect_dma semaphore(%run_scoped3A : memref<!tpu.dma_semaphore, #tpu.memory_space<semaphore_mem>>) src(%arg11 : memref<80x128xf32, #tpu.memory_space<vmem>>) dst(%dma_wait3A_73 : memref<10112x128xf32, #tpu.memory_space<vmem_shared>>)
          tpu.yield
        }) : () -> ()
        %add3A_61 = arith.constant 2 : i32
        %add3A_62 = arith.addi %add3A_41, %add3A_61 : i32
        %lt3A_63 = arith.constant 125 : i32
        %lt3A_64 = arith.cmpi slt, %add3A_62, %lt3A_63 : i32
        %convert_element_type3A_65 = arith.extui %lt3A_64 : i1 to i32
        %cond3A_66 = arith.constant 0 : i32
        %cond3A_67 = arith.cmpi ne, %convert_element_type3A_65, %cond3A_66 : i32
        scf.if %cond3A_67 {
          %add3A_68 = arith.constant 2 : i32
          %add3A_69 = arith.addi %add3A_41, %add3A_68 : i32
          %mul3A_70 = arith.constant 80 : i32
          %mul3A_71 = arith.muli %add3A_69, %mul3A_70 : i32
          %add3A_72 = arith.addi %mul3A_2, %mul3A_71 : i32
          %multiple_of3A_73 = tpu.assume_multiple %add3A_72, 8 : i32
          %dma_start3A_74 = tpu.memref_slice %arg3[%multiple_of3A_73] : memref<320000xi32, #tpu.memory_space<hbm>> -> memref<80xi32, #tpu.memory_space<hbm>>
          %dma_start3A_75 = tpu.memref_slice %arg3[%multiple_of3A_73] : memref<320000xi32, #tpu.memory_space<hbm>> -> memref<80xi32, #tpu.memory_space<hbm>>
          tpu.enqueue_dma source(%dma_start3A_75 : memref<80xi32, #tpu.memory_space<hbm>>) target(%arg7 : memref<80xi32, #tpu.memory_space<vmem>>) target_semaphore(%arg14 : memref<!tpu.dma_semaphore, #tpu.memory_space<semaphore_mem>>)
          %dma_start3A_76 = tpu.memref_slice %arg4[%multiple_of3A_73] : memref<320000xi32, #tpu.memory_space<hbm>> -> memref<80xi32, #tpu.memory_space<hbm>>
          %dma_start3A_77 = tpu.memref_slice %arg4[%multiple_of3A_73] : memref<320000xi32, #tpu.memory_space<hbm>> -> memref<80xi32, #tpu.memory_space<hbm>>
          tpu.enqueue_dma source(%dma_start3A_77 : memref<80xi32, #tpu.memory_space<hbm>>) target(%arg8 : memref<80xi32, #tpu.memory_space<vmem>>) target_semaphore(%arg15 : memref<!tpu.dma_semaphore, #tpu.memory_space<semaphore_mem>>)
        } else {
        }
      } else {
      }
      %add3A_44 = arith.constant 1 : i32
      %add3A_45 = arith.addi %mul3A_39, %add3A_44 : i32
      %lt3A_46 = arith.constant 125 : i32
      %lt3A_47 = arith.cmpi slt, %add3A_45, %lt3A_46 : i32
      %convert_element_type3A_48 = arith.extui %lt3A_47 : i1 to i32
      %cond3A_49 = arith.constant 0 : i32
      %cond3A_50 = arith.cmpi ne, %convert_element_type3A_48, %cond3A_49 : i32
      scf.if %cond3A_50 {
        %add3A_51 = arith.constant 1 : i32
        %add3A_52 = arith.addi %add3A_45, %add3A_51 : i32
        %lt3A_53 = arith.constant 125 : i32
        %lt3A_54 = arith.cmpi slt, %add3A_52, %lt3A_53 : i32
        %convert_element_type3A_55 = arith.extui %lt3A_54 : i1 to i32
        %cond3A_56 = arith.constant 0 : i32
        %cond3A_57 = arith.cmpi ne, %convert_element_type3A_55, %cond3A_56 : i32
        scf.if %cond3A_57 {
          %dma_wait3A_68 = arith.constant 0 : i32
          %dma_wait3A_69 = tpu.memref_slice %arg3[%dma_wait3A_68] : memref<320000xi32, #tpu.memory_space<hbm>> -> memref<80xi32, #tpu.memory_space<hbm>>
          %dma_wait3A_70 = arith.constant 0 : i32
          %dma_wait3A_71 = tpu.memref_slice %arg3[%dma_wait3A_70] : memref<320000xi32, #tpu.memory_space<hbm>> -> memref<80xi32, #tpu.memory_space<hbm>>
          tpu.wait_dma2 semaphore(%arg14 : memref<!tpu.dma_semaphore, #tpu.memory_space<semaphore_mem>>) src(%dma_wait3A_71 : memref<80xi32, #tpu.memory_space<hbm>>) dst(%arg7 : memref<80xi32, #tpu.memory_space<vmem>>)
          %dma_wait3A_72 = arith.constant 0 : i32
          %dma_wait3A_73 = tpu.memref_slice %arg4[%dma_wait3A_72] : memref<320000xi32, #tpu.memory_space<hbm>> -> memref<80xi32, #tpu.memory_space<hbm>>
          %dma_wait3A_74 = arith.constant 0 : i32
          %dma_wait3A_75 = tpu.memref_slice %arg4[%dma_wait3A_74] : memref<320000xi32, #tpu.memory_space<hbm>> -> memref<80xi32, #tpu.memory_space<hbm>>
          tpu.wait_dma2 semaphore(%arg15 : memref<!tpu.dma_semaphore, #tpu.memory_space<semaphore_mem>>) src(%dma_wait3A_75 : memref<80xi32, #tpu.memory_space<hbm>>) dst(%arg8 : memref<80xi32, #tpu.memory_space<vmem>>)
          %dma_start3A_76 = arith.constant 0 : i32
          %dma_start3A_77 = arith.constant 0 : i32
          %dma_start3A_78 = tpu.memref_slice %arg2[%dma_start3A_76, %dma_start3A_77] : memref<10000x128xf32, #tpu.memory_space<hbm>> -> memref<10000x128xf32, #tpu.memory_space<hbm>>
          tpu.enqueue_indirect_dma source(%dma_start3A_78 : memref<10000x128xf32, #tpu.memory_space<hbm>>) target(%arg11 : memref<80x128xf32, #tpu.memory_space<vmem>>) offsets(%arg7 : memref<80xi32, #tpu.memory_space<vmem>>) semaphore(%arg18 : memref<!tpu.dma_semaphore, #tpu.memory_space<semaphore_mem>>)
        } else {
        }
        %dma_wait3A_58 = arith.constant 0 : i32
        %dma_wait3A_59 = arith.constant 0 : i32
        %dma_wait3A_60 = tpu.memref_slice %arg2[%dma_wait3A_58, %dma_wait3A_59] : memref<10000x128xf32, #tpu.memory_space<hbm>> -> memref<10000x128xf32, #tpu.memory_space<hbm>>
        tpu.wait_indirect_dma semaphore(%arg19 : memref<!tpu.dma_semaphore, #tpu.memory_space<semaphore_mem>>) src(%dma_wait3A_60 : memref<10000x128xf32, #tpu.memory_space<hbm>>) dst(%arg12 : memref<80x128xf32, #tpu.memory_space<vmem>>)
        "tpu.region"() ({
          %run_scoped3A = tpu.sem_alloc : memref<!tpu.dma_semaphore, #tpu.memory_space<semaphore_mem>>
          %dma_start3A_68 = arith.constant 0 : i32
          %dma_start3A_69 = arith.constant 0 : i32
          %dma_start3A_70 = tpu.memref_slice %arg13[%dma_start3A_68, %dma_start3A_69] : memref<10112x128xf32, #tpu.memory_space<vmem_shared>> -> memref<10112x128xf32, #tpu.memory_space<vmem_shared>>
          tpu.enqueue_indirect_dma source(%arg12 : memref<80x128xf32, #tpu.memory_space<vmem>>) target(%dma_start3A_70 : memref<10112x128xf32, #tpu.memory_space<vmem_shared>>) offsets(%arg10 : memref<80xi32, #tpu.memory_space<vmem>>) semaphore(%run_scoped3A : memref<!tpu.dma_semaphore, #tpu.memory_space<semaphore_mem>>) {add = true}
          %dma_wait3A_71 = arith.constant 0 : i32
          %dma_wait3A_72 = arith.constant 0 : i32
          %dma_wait3A_73 = tpu.memref_slice %arg13[%dma_wait3A_71, %dma_wait3A_72] : memref<10112x128xf32, #tpu.memory_space<vmem_shared>> -> memref<10112x128xf32, #tpu.memory_space<vmem_shared>>
          tpu.wait_indirect_dma semaphore(%run_scoped3A : memref<!tpu.dma_semaphore, #tpu.memory_space<semaphore_mem>>) src(%arg12 : memref<80x128xf32, #tpu.memory_space<vmem>>) dst(%dma_wait3A_73 : memref<10112x128xf32, #tpu.memory_space<vmem_shared>>)
          tpu.yield
        }) : () -> ()
        %add3A_61 = arith.constant 2 : i32
        %add3A_62 = arith.addi %add3A_45, %add3A_61 : i32
        %lt3A_63 = arith.constant 125 : i32
        %lt3A_64 = arith.cmpi slt, %add3A_62, %lt3A_63 : i32
        %convert_element_type3A_65 = arith.extui %lt3A_64 : i1 to i32
        %cond3A_66 = arith.constant 0 : i32
        %cond3A_67 = arith.cmpi ne, %convert_element_type3A_65, %cond3A_66 : i32
        scf.if %cond3A_67 {
          %add3A_68 = arith.constant 2 : i32
          %add3A_69 = arith.addi %add3A_45, %add3A_68 : i32
          %mul3A_70 = arith.constant 80 : i32
          %mul3A_71 = arith.muli %add3A_69, %mul3A_70 : i32
          %add3A_72 = arith.addi %mul3A_2, %mul3A_71 : i32
          %multiple_of3A_73 = tpu.assume_multiple %add3A_72, 8 : i32
          %dma_start3A_74 = tpu.memref_slice %arg3[%multiple_of3A_73] : memref<320000xi32, #tpu.memory_space<hbm>> -> memref<80xi32, #tpu.memory_space<hbm>>
          %dma_start3A_75 = tpu.memref_slice %arg3[%multiple_of3A_73] : memref<320000xi32, #tpu.memory_space<hbm>> -> memref<80xi32, #tpu.memory_space<hbm>>
          tpu.enqueue_dma source(%dma_start3A_75 : memref<80xi32, #tpu.memory_space<hbm>>) target(%arg9 : memref<80xi32, #tpu.memory_space<vmem>>) target_semaphore(%arg16 : memref<!tpu.dma_semaphore, #tpu.memory_space<semaphore_mem>>)
          %dma_start3A_76 = tpu.memref_slice %arg4[%multiple_of3A_73] : memref<320000xi32, #tpu.memory_space<hbm>> -> memref<80xi32, #tpu.memory_space<hbm>>
          %dma_start3A_77 = tpu.memref_slice %arg4[%multiple_of3A_73] : memref<320000xi32, #tpu.memory_space<hbm>> -> memref<80xi32, #tpu.memory_space<hbm>>
          tpu.enqueue_dma source(%dma_start3A_77 : memref<80xi32, #tpu.memory_space<hbm>>) target(%arg10 : memref<80xi32, #tpu.memory_space<vmem>>) target_semaphore(%arg17 : memref<!tpu.dma_semaphore, #tpu.memory_space<semaphore_mem>>)
        } else {
        }
      } else {
      }
    }
    %scan3A_31 = arith.constant 63 : i32
    %barrier3A_32 = arith.constant 0 : index
    tpu.barrier barrier_id(%barrier3A_32)
    %mul3A_33 = arith.constant 632 : i32
    %mul3A_34 = arith.muli %arg1, %mul3A_33 : i32
    %mul3A_35 = arith.constant 632 : i32
    %mul3A_36 = arith.muli %arg1, %mul3A_35 : i32
    "tpu.region"() ({
      %run_scoped3A = tpu.sem_alloc : memref<!tpu.dma_semaphore, #tpu.memory_space<semaphore_mem>>
      %dma_start3A_37 = arith.constant 0 : i32
      %dma_start3A_38 = tpu.memref_slice %arg6[%arg0, %mul3A_36, %dma_start3A_37] : memref<2x10112x128xf32, #tpu.memory_space<hbm>> -> memref<1x632x128xf32, #tpu.memory_space<hbm>>
      %dma_start3A_39 = tpu.memref_squeeze %dma_start3A_38 : memref<1x632x128xf32, #tpu.memory_space<hbm>> -> memref<632x128xf32, #tpu.memory_space<hbm>>
      %dma_start3A_40 = arith.constant 0 : i32
      %dma_start3A_41 = tpu.memref_slice %arg13[%mul3A_34, %dma_start3A_40] : memref<10112x128xf32, #tpu.memory_space<vmem_shared>> -> memref<632x128xf32, #tpu.memory_space<vmem_shared>>
      tpu.enqueue_dma source(%dma_start3A_41 : memref<632x128xf32, #tpu.memory_space<vmem_shared>>) target(%dma_start3A_39 : memref<632x128xf32, #tpu.memory_space<hbm>>) target_semaphore(%run_scoped3A : memref<!tpu.dma_semaphore, #tpu.memory_space<semaphore_mem>>)
      %dma_wait3A_42 = arith.constant 0 : i32
      %dma_wait3A_43 = tpu.memref_slice %arg6[%arg0, %mul3A_36, %dma_wait3A_42] : memref<2x10112x128xf32, #tpu.memory_space<hbm>> -> memref<1x632x128xf32, #tpu.memory_space<hbm>>
      %dma_wait3A_44 = tpu.memref_squeeze %dma_wait3A_43 : memref<1x632x128xf32, #tpu.memory_space<hbm>> -> memref<632x128xf32, #tpu.memory_space<hbm>>
      %dma_wait3A_45 = arith.constant 0 : i32
      %dma_wait3A_46 = tpu.memref_slice %arg13[%mul3A_34, %dma_wait3A_45] : memref<10112x128xf32, #tpu.memory_space<vmem_shared>> -> memref<632x128xf32, #tpu.memory_space<vmem_shared>>
      tpu.wait_dma2 semaphore(%run_scoped3A : memref<!tpu.dma_semaphore, #tpu.memory_space<semaphore_mem>>) src(%dma_wait3A_46 : memref<632x128xf32, #tpu.memory_space<vmem_shared>>) dst(%dma_wait3A_44 : memref<632x128xf32, #tpu.memory_space<hbm>>)
      tpu.yield
    }) : () -> ()
    return
  }
}

#map = affine_map<(d0, d1) -> (0)>
#map1 = affine_map<(d0, d1) -> (0, 0)>
#map2 = affine_map<(d0, d1) -> (0, 0, 0)>
module attributes {stable_mosaic.version = 14 : i64} {
  func.func @deg_kernel(%arg0: i32, %arg1: i32, %arg2: memref<320000xi32, #tpu.memory_space<hbm>>, %arg3: memref<80x128xf32, #tpu.memory_space<hbm>>, %arg4: memref<2x80x128xf32, #tpu.memory_space<hbm>>, %arg5: memref<10000xi32, #tpu.memory_space<vmem>>, %arg6: memref<80x128xf32, #tpu.memory_space<vmem>>, %arg7: memref<80xi32, #tpu.memory_space<vmem>>, %arg8: memref<80x128xf32, #tpu.memory_space<vmem_shared>>) attributes {dimension_semantics = [#tpu.dimension_semantics<core_parallel>, #tpu.dimension_semantics<subcore_parallel>], iteration_bounds = array<i64: 2, 16>, scalar_prefetch = 0 : i64, scratch_operands = 4 : i64, tpu.core_type = #tpu.core_type<sc_vector_subcore>, window_params = [{transform_indices = #map}, {transform_indices = #map1}, {transform_indices = #map2}]} {
    "tpu.region"() ({
      %run_scoped3A = tpu.sem_alloc : memref<!tpu.dma_semaphore, #tpu.memory_space<semaphore_mem>>
      tpu.enqueue_dma source(%arg3 : memref<80x128xf32, #tpu.memory_space<hbm>>) target(%arg6 : memref<80x128xf32, #tpu.memory_space<vmem>>) target_semaphore(%run_scoped3A : memref<!tpu.dma_semaphore, #tpu.memory_space<semaphore_mem>>)
      tpu.wait_dma2 semaphore(%run_scoped3A : memref<!tpu.dma_semaphore, #tpu.memory_space<semaphore_mem>>) src(%arg3 : memref<80x128xf32, #tpu.memory_space<hbm>>) dst(%arg6 : memref<80x128xf32, #tpu.memory_space<vmem>>)
      tpu.yield
    }) : () -> ()
    %eq3A = arith.constant 0 : i32
    %eq3A_0 = arith.cmpi eq, %arg1, %eq3A : i32
    %convert_element_type3A = arith.extui %eq3A_0 : i1 to i32
    %cond3A = arith.constant 0 : i32
    %cond3A_1 = arith.cmpi ne, %convert_element_type3A, %cond3A : i32
    scf.if %cond3A_1 {
      "tpu.region"() ({
        %run_scoped3A = tpu.sem_alloc : memref<!tpu.dma_semaphore, #tpu.memory_space<semaphore_mem>>
        tpu.enqueue_dma source(%arg3 : memref<80x128xf32, #tpu.memory_space<hbm>>) target(%arg8 : memref<80x128xf32, #tpu.memory_space<vmem_shared>>) target_semaphore(%run_scoped3A : memref<!tpu.dma_semaphore, #tpu.memory_space<semaphore_mem>>)
        tpu.wait_dma2 semaphore(%run_scoped3A : memref<!tpu.dma_semaphore, #tpu.memory_space<semaphore_mem>>) src(%arg3 : memref<80x128xf32, #tpu.memory_space<hbm>>) dst(%arg8 : memref<80x128xf32, #tpu.memory_space<vmem_shared>>)
        tpu.yield
      }) : () -> ()
    } else {
    }
    %mul3A = arith.constant 16 : i32
    %mul3A_2 = arith.muli %arg0, %mul3A : i32
    %add3A = arith.addi %mul3A_2, %arg1 : i32
    %mul3A_3 = arith.constant 10000 : i32
    %mul3A_4 = arith.muli %add3A, %mul3A_3 : i32
    %multiple_of3A = tpu.assume_multiple %mul3A_4, 8 : i32
    "tpu.region"() ({
      %run_scoped3A = tpu.sem_alloc : memref<!tpu.dma_semaphore, #tpu.memory_space<semaphore_mem>>
      %dma_start3A = tpu.memref_slice %arg2[%multiple_of3A] : memref<320000xi32, #tpu.memory_space<hbm>> -> memref<10000xi32, #tpu.memory_space<hbm>>
      %dma_start3A_21 = tpu.memref_slice %arg2[%multiple_of3A] : memref<320000xi32, #tpu.memory_space<hbm>> -> memref<10000xi32, #tpu.memory_space<hbm>>
      tpu.enqueue_dma source(%dma_start3A_21 : memref<10000xi32, #tpu.memory_space<hbm>>) target(%arg5 : memref<10000xi32, #tpu.memory_space<vmem>>) target_semaphore(%run_scoped3A : memref<!tpu.dma_semaphore, #tpu.memory_space<semaphore_mem>>)
      %dma_wait3A = tpu.memref_slice %arg2[%multiple_of3A] : memref<320000xi32, #tpu.memory_space<hbm>> -> memref<10000xi32, #tpu.memory_space<hbm>>
      %dma_wait3A_22 = tpu.memref_slice %arg2[%multiple_of3A] : memref<320000xi32, #tpu.memory_space<hbm>> -> memref<10000xi32, #tpu.memory_space<hbm>>
      tpu.wait_dma2 semaphore(%run_scoped3A : memref<!tpu.dma_semaphore, #tpu.memory_space<semaphore_mem>>) src(%dma_wait3A_22 : memref<10000xi32, #tpu.memory_space<hbm>>) dst(%arg5 : memref<10000xi32, #tpu.memory_space<vmem>>)
      tpu.yield
    }) : () -> ()
    %scan3A = arith.constant 0 : i32
    %scan3A_5 = arith.constant 0 : i32
    %scan3A_6 = arith.constant 5 : i32
    %scan3A_7 = arith.addi %scan3A_5, %scan3A_6 : i32
    %scan3A_8 = arith.constant 1 : i32
    scf.for %scan3A_21 = %scan3A_5 to %scan3A_7 step %scan3A_8  : i32 {
      %iota3A = tpu.iota {dimensions = array<i32: 0>} : vector<16xi32>
      %mul3A_22 = arith.constant 16 : i32
      %mul3A_23 = arith.muli %scan3A_21, %mul3A_22 : i32
      %add3A_24 = vector.broadcast %mul3A_23 : i32 to vector<16xi32>
      %add3A_25 = arith.addi %iota3A, %add3A_24 : vector<16xi32>
      %mul3A_26 = arith.constant 16 : i32
      %mul3A_27 = arith.muli %scan3A_21, %mul3A_26 : i32
      %swap3A = arith.index_cast %mul3A_27 : i32 to index
      %swap3A_28 = tpu.vector_load %arg7[%swap3A] {strides = array<i32>} : memref<80xi32, #tpu.memory_space<vmem>>, vector<16xi32>,
      tpu.vector_store %arg7[%swap3A], %add3A_25 {strides = array<i32>} : memref<80xi32, #tpu.memory_space<vmem>>, vector<16xi32>,
    }
    %scan3A_9 = arith.constant 5 : i32
    %scan3A_10 = arith.constant 0 : i32
    %scan3A_11 = arith.constant 0 : i32
    %scan3A_12 = arith.constant 625 : i32
    %scan3A_13 = arith.addi %scan3A_11, %scan3A_12 : i32
    %scan3A_14 = arith.constant 1 : i32
    scf.for %scan3A_21 = %scan3A_11 to %scan3A_13 step %scan3A_14  : i32 {
      %mul3A_22 = arith.constant 16 : i32
      %mul3A_23 = arith.muli %scan3A_21, %mul3A_22 : i32
      %get3A = arith.index_cast %mul3A_23 : i32 to index
      %get3A_24 = tpu.vector_load %arg5[%get3A] {strides = array<i32>} : memref<10000xi32, #tpu.memory_space<vmem>>, vector<16xi32>,
      %broadcast_in_dim3A = arith.constant true
      %broadcast_in_dim3A_25 = vector.broadcast %broadcast_in_dim3A : i1 to vector<16xi1>
      %unique3A, %unique3A_26 = tpu.scan_count mask(%broadcast_in_dim3A_25 : vector<16xi1>) value(%get3A_24 : vector<16xi32>) : vector<16xi1>, vector<16xi32>
      %shift_right_logical3A = arith.constant 7 : i32
      %shift_right_logical3A_27 = vector.broadcast %shift_right_logical3A : i32 to vector<16xi32>
      %shift_right_logical3A_28 = arith.shrui %get3A_24, %shift_right_logical3A_27 : vector<16xi32>
      %and3A = arith.constant 127 : i32
      %and3A_29 = vector.broadcast %and3A : i32 to vector<16xi32>
      %and3A_30 = arith.andi %get3A_24, %and3A_29 : vector<16xi32>
      %convert_element_type3A_31 = arith.sitofp %unique3A_26 : vector<16xi32> to vector<16xf32>
      tpu.vector_store_idx %arg6[%shift_right_logical3A_28, %and3A_30], %convert_element_type3A_31 masked %unique3A {add = true} : memref<80x128xf32, #tpu.memory_space<vmem>>[vector<16xi32>, vector<16xi32>], vector<16xf32>, vector<16xi1>
    }
    %scan3A_15 = arith.constant 625 : i32
    %barrier3A = arith.constant 0 : index
    tpu.barrier barrier_id(%barrier3A)
    "tpu.region"() ({
      %run_scoped3A = tpu.sem_alloc : memref<!tpu.dma_semaphore, #tpu.memory_space<semaphore_mem>>
      %dma_start3A = arith.constant 0 : i32
      %dma_start3A_21 = arith.constant 0 : i32
      %dma_start3A_22 = tpu.memref_slice %arg8[%dma_start3A, %dma_start3A_21] : memref<80x128xf32, #tpu.memory_space<vmem_shared>> -> memref<80x128xf32, #tpu.memory_space<vmem_shared>>
      tpu.enqueue_indirect_dma source(%arg6 : memref<80x128xf32, #tpu.memory_space<vmem>>) target(%dma_start3A_22 : memref<80x128xf32, #tpu.memory_space<vmem_shared>>) offsets(%arg7 : memref<80xi32, #tpu.memory_space<vmem>>) semaphore(%run_scoped3A : memref<!tpu.dma_semaphore, #tpu.memory_space<semaphore_mem>>) {add = true}
      %dma_wait3A = arith.constant 0 : i32
      %dma_wait3A_23 = arith.constant 0 : i32
      %dma_wait3A_24 = tpu.memref_slice %arg8[%dma_wait3A, %dma_wait3A_23] : memref<80x128xf32, #tpu.memory_space<vmem_shared>> -> memref<80x128xf32, #tpu.memory_space<vmem_shared>>
      tpu.wait_indirect_dma semaphore(%run_scoped3A : memref<!tpu.dma_semaphore, #tpu.memory_space<semaphore_mem>>) src(%arg6 : memref<80x128xf32, #tpu.memory_space<vmem>>) dst(%dma_wait3A_24 : memref<80x128xf32, #tpu.memory_space<vmem_shared>>)
      tpu.yield
    }) : () -> ()
    %barrier3A_16 = arith.constant 0 : index
    tpu.barrier barrier_id(%barrier3A_16)
    %lt3A = arith.constant 10 : i32
    %lt3A_17 = arith.cmpi slt, %arg1, %lt3A : i32
    %convert_element_type3A_18 = arith.extui %lt3A_17 : i1 to i32
    %cond3A_19 = arith.constant 0 : i32
    %cond3A_20 = arith.cmpi ne, %convert_element_type3A_18, %cond3A_19 : i32
    scf.if %cond3A_20 {
      %mul3A_21 = arith.constant 8 : i32
      %mul3A_22 = arith.muli %arg1, %mul3A_21 : i32
      %mul3A_23 = arith.constant 8 : i32
      %mul3A_24 = arith.muli %arg1, %mul3A_23 : i32
      "tpu.region"() ({
        %run_scoped3A = tpu.sem_alloc : memref<!tpu.dma_semaphore, #tpu.memory_space<semaphore_mem>>
        %dma_start3A = arith.constant 0 : i32
        %dma_start3A_25 = tpu.memref_slice %arg4[%arg0, %mul3A_24, %dma_start3A] : memref<2x80x128xf32, #tpu.memory_space<hbm>> -> memref<1x8x128xf32, #tpu.memory_space<hbm>>
        %dma_start3A_26 = tpu.memref_squeeze %dma_start3A_25 : memref<1x8x128xf32, #tpu.memory_space<hbm>> -> memref<8x128xf32, #tpu.memory_space<hbm>>
        %dma_start3A_27 = arith.constant 0 : i32
        %dma_start3A_28 = tpu.memref_slice %arg8[%mul3A_22, %dma_start3A_27] : memref<80x128xf32, #tpu.memory_space<vmem_shared>> -> memref<8x128xf32, #tpu.memory_space<vmem_shared>>
        tpu.enqueue_dma source(%dma_start3A_28 : memref<8x128xf32, #tpu.memory_space<vmem_shared>>) target(%dma_start3A_26 : memref<8x128xf32, #tpu.memory_space<hbm>>) target_semaphore(%run_scoped3A : memref<!tpu.dma_semaphore, #tpu.memory_space<semaphore_mem>>)
        %dma_wait3A = arith.constant 0 : i32
        %dma_wait3A_29 = tpu.memref_slice %arg4[%arg0, %mul3A_24, %dma_wait3A] : memref<2x80x128xf32, #tpu.memory_space<hbm>> -> memref<1x8x128xf32, #tpu.memory_space<hbm>>
        %dma_wait3A_30 = tpu.memref_squeeze %dma_wait3A_29 : memref<1x8x128xf32, #tpu.memory_space<hbm>> -> memref<8x128xf32, #tpu.memory_space<hbm>>
        %dma_wait3A_31 = arith.constant 0 : i32
        %dma_wait3A_32 = tpu.memref_slice %arg8[%mul3A_22, %dma_wait3A_31] : memref<80x128xf32, #tpu.memory_space<vmem_shared>> -> memref<8x128xf32, #tpu.memory_space<vmem_shared>>
        tpu.wait_dma2 semaphore(%run_scoped3A : memref<!tpu.dma_semaphore, #tpu.memory_space<semaphore_mem>>) src(%dma_wait3A_32 : memref<8x128xf32, #tpu.memory_space<vmem_shared>>) dst(%dma_wait3A_30 : memref<8x128xf32, #tpu.memory_space<hbm>>)
        tpu.yield
      }) : () -> ()
    } else {
    }
    return
  }
}

#map = affine_map<(d0, d1) -> (0, 0)>
#map1 = affine_map<(d0, d1) -> (0)>
#map2 = affine_map<(d0, d1) -> (0, 0, 0)>
module attributes {stable_mosaic.version = 14 : i64} {
  func.func @agg_kernel(%arg0: i32, %arg1: i32, %arg2: memref<10000x128xf32, #tpu.memory_space<hbm>>, %arg3: memref<320000xi32, #tpu.memory_space<hbm>>, %arg4: memref<320000xi32, #tpu.memory_space<hbm>>, %arg5: memref<632x128xf32, #tpu.memory_space<hbm>>, %arg6: memref<2x10112x128xf32, #tpu.memory_space<hbm>>, %arg7: memref<80xi32, #tpu.memory_space<vmem>>, %arg8: memref<80xi32, #tpu.memory_space<vmem>>, %arg9: memref<80xi32, #tpu.memory_space<vmem>>, %arg10: memref<80xi32, #tpu.memory_space<vmem>>, %arg11: memref<80x128xf32, #tpu.memory_space<vmem>>, %arg12: memref<80x128xf32, #tpu.memory_space<vmem>>, %arg13: memref<10112x128xf32, #tpu.memory_space<vmem_shared>>, %arg14: memref<!tpu.dma_semaphore, #tpu.memory_space<semaphore_mem>>, %arg15: memref<!tpu.dma_semaphore, #tpu.memory_space<semaphore_mem>>, %arg16: memref<!tpu.dma_semaphore, #tpu.memory_space<semaphore_mem>>, %arg17: memref<!tpu.dma_semaphore, #tpu.memory_space<semaphore_mem>>, %arg18: memref<!tpu.dma_semaphore, #tpu.memory_space<semaphore_mem>>, %arg19: memref<!tpu.dma_semaphore, #tpu.memory_space<semaphore_mem>>) attributes {dimension_semantics = [#tpu.dimension_semantics<core_parallel>, #tpu.dimension_semantics<subcore_parallel>], iteration_bounds = array<i64: 2, 16>, scalar_prefetch = 0 : i64, scratch_operands = 13 : i64, tpu.core_type = #tpu.core_type<sc_vector_subcore>, window_params = [{transform_indices = #map}, {transform_indices = #map1}, {transform_indices = #map1}, {transform_indices = #map}, {transform_indices = #map2}]} {
    %mul3A = arith.constant 16 : i32
    %mul3A_0 = arith.muli %arg0, %mul3A : i32
    %add3A = arith.addi %mul3A_0, %arg1 : i32
    %mul3A_1 = arith.constant 10000 : i32
    %mul3A_2 = arith.muli %add3A, %mul3A_1 : i32
    %add3A_3 = arith.constant 0 : i32
    %add3A_4 = arith.addi %mul3A_2, %add3A_3 : i32
    %multiple_of3A = tpu.assume_multiple %add3A_4, 8 : i32
    %dma_start3A = tpu.memref_slice %arg3[%multiple_of3A] : memref<320000xi32, #tpu.memory_space<hbm>> -> memref<80xi32, #tpu.memory_space<hbm>>
    %dma_start3A_5 = tpu.memref_slice %arg3[%multiple_of3A] : memref<320000xi32, #tpu.memory_space<hbm>> -> memref<80xi32, #tpu.memory_space<hbm>>
    tpu.enqueue_dma source(%dma_start3A_5 : memref<80xi32, #tpu.memory_space<hbm>>) target(%arg7 : memref<80xi32, #tpu.memory_space<vmem>>) target_semaphore(%arg14 : memref<!tpu.dma_semaphore, #tpu.memory_space<semaphore_mem>>)
    %dma_start3A_6 = tpu.memref_slice %arg4[%multiple_of3A] : memref<320000xi32, #tpu.memory_space<hbm>> -> memref<80xi32, #tpu.memory_space<hbm>>
    %dma_start3A_7 = tpu.memref_slice %arg4[%multiple_of3A] : memref<320000xi32, #tpu.memory_space<hbm>> -> memref<80xi32, #tpu.memory_space<hbm>>
    tpu.enqueue_dma source(%dma_start3A_7 : memref<80xi32, #tpu.memory_space<hbm>>) target(%arg8 : memref<80xi32, #tpu.memory_space<vmem>>) target_semaphore(%arg15 : memref<!tpu.dma_semaphore, #tpu.memory_space<semaphore_mem>>)
    %add3A_8 = arith.constant 80 : i32
    %add3A_9 = arith.addi %mul3A_2, %add3A_8 : i32
    %multiple_of3A_10 = tpu.assume_multiple %add3A_9, 8 : i32
    %dma_start3A_11 = tpu.memref_slice %arg3[%multiple_of3A_10] : memref<320000xi32, #tpu.memory_space<hbm>> -> memref<80xi32, #tpu.memory_space<hbm>>
    %dma_start3A_12 = tpu.memref_slice %arg3[%multiple_of3A_10] : memref<320000xi32, #tpu.memory_space<hbm>> -> memref<80xi32, #tpu.memory_space<hbm>>
    tpu.enqueue_dma source(%dma_start3A_12 : memref<80xi32, #tpu.memory_space<hbm>>) target(%arg9 : memref<80xi32, #tpu.memory_space<vmem>>) target_semaphore(%arg16 : memref<!tpu.dma_semaphore, #tpu.memory_space<semaphore_mem>>)
    %dma_start3A_13 = tpu.memref_slice %arg4[%multiple_of3A_10] : memref<320000xi32, #tpu.memory_space<hbm>> -> memref<80xi32, #tpu.memory_space<hbm>>
    %dma_start3A_14 = tpu.memref_slice %arg4[%multiple_of3A_10] : memref<320000xi32, #tpu.memory_space<hbm>> -> memref<80xi32, #tpu.memory_space<hbm>>
    tpu.enqueue_dma source(%dma_start3A_14 : memref<80xi32, #tpu.memory_space<hbm>>) target(%arg10 : memref<80xi32, #tpu.memory_space<vmem>>) target_semaphore(%arg17 : memref<!tpu.dma_semaphore, #tpu.memory_space<semaphore_mem>>)
    %mul3A_15 = arith.constant 632 : i32
    %mul3A_16 = arith.muli %arg1, %mul3A_15 : i32
    "tpu.region"() ({
      %run_scoped3A = tpu.sem_alloc : memref<!tpu.dma_semaphore, #tpu.memory_space<semaphore_mem>>
      %dma_start3A_37 = arith.constant 0 : i32
      %dma_start3A_38 = tpu.memref_slice %arg13[%mul3A_16, %dma_start3A_37] : memref<10112x128xf32, #tpu.memory_space<vmem_shared>> -> memref<632x128xf32, #tpu.memory_space<vmem_shared>>
      tpu.enqueue_dma source(%arg5 : memref<632x128xf32, #tpu.memory_space<hbm>>) target(%dma_start3A_38 : memref<632x128xf32, #tpu.memory_space<vmem_shared>>) target_semaphore(%run_scoped3A : memref<!tpu.dma_semaphore, #tpu.memory_space<semaphore_mem>>)
      %dma_wait3A_39 = arith.constant 0 : i32
      %dma_wait3A_40 = tpu.memref_slice %arg13[%mul3A_16, %dma_wait3A_39] : memref<10112x128xf32, #tpu.memory_space<vmem_shared>> -> memref<632x128xf32, #tpu.memory_space<vmem_shared>>
      tpu.wait_dma2 semaphore(%run_scoped3A : memref<!tpu.dma_semaphore, #tpu.memory_space<semaphore_mem>>) src(%arg5 : memref<632x128xf32, #tpu.memory_space<hbm>>) dst(%dma_wait3A_40 : memref<632x128xf32, #tpu.memory_space<vmem_shared>>)
      tpu.yield
    }) : () -> ()
    %dma_wait3A = arith.constant 0 : i32
    %dma_wait3A_17 = tpu.memref_slice %arg3[%dma_wait3A] : memref<320000xi32, #tpu.memory_space<hbm>> -> memref<80xi32, #tpu.memory_space<hbm>>
    %dma_wait3A_18 = arith.constant 0 : i32
    %dma_wait3A_19 = tpu.memref_slice %arg3[%dma_wait3A_18] : memref<320000xi32, #tpu.memory_space<hbm>> -> memref<80xi32, #tpu.memory_space<hbm>>
    tpu.wait_dma2 semaphore(%arg14 : memref<!tpu.dma_semaphore, #tpu.memory_space<semaphore_mem>>) src(%dma_wait3A_19 : memref<80xi32, #tpu.memory_space<hbm>>) dst(%arg7 : memref<80xi32, #tpu.memory_space<vmem>>)
    %dma_wait3A_20 = arith.constant 0 : i32
    %dma_wait3A_21 = tpu.memref_slice %arg4[%dma_wait3A_20] : memref<320000xi32, #tpu.memory_space<hbm>> -> memref<80xi32, #tpu.memory_space<hbm>>
    %dma_wait3A_22 = arith.constant 0 : i32
    %dma_wait3A_23 = tpu.memref_slice %arg4[%dma_wait3A_22] : memref<320000xi32, #tpu.memory_space<hbm>> -> memref<80xi32, #tpu.memory_space<hbm>>
    tpu.wait_dma2 semaphore(%arg15 : memref<!tpu.dma_semaphore, #tpu.memory_space<semaphore_mem>>) src(%dma_wait3A_23 : memref<80xi32, #tpu.memory_space<hbm>>) dst(%arg8 : memref<80xi32, #tpu.memory_space<vmem>>)
    %barrier3A = arith.constant 0 : index
    tpu.barrier barrier_id(%barrier3A)
    %dma_start3A_24 = arith.constant 0 : i32
    %dma_start3A_25 = arith.constant 0 : i32
    %dma_start3A_26 = tpu.memref_slice %arg2[%dma_start3A_24, %dma_start3A_25] : memref<10000x128xf32, #tpu.memory_space<hbm>> -> memref<10000x128xf32, #tpu.memory_space<hbm>>
    tpu.enqueue_indirect_dma source(%dma_start3A_26 : memref<10000x128xf32, #tpu.memory_space<hbm>>) target(%arg11 : memref<80x128xf32, #tpu.memory_space<vmem>>) offsets(%arg7 : memref<80xi32, #tpu.memory_space<vmem>>) semaphore(%arg18 : memref<!tpu.dma_semaphore, #tpu.memory_space<semaphore_mem>>)
    %scan3A = arith.constant 0 : i32
    %scan3A_27 = arith.constant 0 : i32
    %scan3A_28 = arith.constant 63 : i32
    %scan3A_29 = arith.addi %scan3A_27, %scan3A_28 : i32
    %scan3A_30 = arith.constant 1 : i32
    scf.for %scan3A_37 = %scan3A_27 to %scan3A_29 step %scan3A_30  : i32 {
      %mul3A_38 = arith.constant 2 : i32
      %mul3A_39 = arith.muli %scan3A_37, %mul3A_38 : i32
      %add3A_40 = arith.constant 0 : i32
      %add3A_41 = arith.addi %mul3A_39, %add3A_40 : i32
      %lt3A = arith.constant 125 : i32
      %lt3A_42 = arith.cmpi slt, %add3A_41, %lt3A : i32
      %convert_element_type3A = arith.extui %lt3A_42 : i1 to i32
      %cond3A = arith.constant 0 : i32
      %cond3A_43 = arith.cmpi ne, %convert_element_type3A, %cond3A : i32
      scf.if %cond3A_43 {
        %add3A_51 = arith.constant 1 : i32
        %add3A_52 = arith.addi %add3A_41, %add3A_51 : i32
        %lt3A_53 = arith.constant 125 : i32
        %lt3A_54 = arith.cmpi slt, %add3A_52, %lt3A_53 : i32
        %convert_element_type3A_55 = arith.extui %lt3A_54 : i1 to i32
        %cond3A_56 = arith.constant 0 : i32
        %cond3A_57 = arith.cmpi ne, %convert_element_type3A_55, %cond3A_56 : i32
        scf.if %cond3A_57 {
          %dma_wait3A_68 = arith.constant 0 : i32
          %dma_wait3A_69 = tpu.memref_slice %arg3[%dma_wait3A_68] : memref<320000xi32, #tpu.memory_space<hbm>> -> memref<80xi32, #tpu.memory_space<hbm>>
          %dma_wait3A_70 = arith.constant 0 : i32
          %dma_wait3A_71 = tpu.memref_slice %arg3[%dma_wait3A_70] : memref<320000xi32, #tpu.memory_space<hbm>> -> memref<80xi32, #tpu.memory_space<hbm>>
          tpu.wait_dma2 semaphore(%arg16 : memref<!tpu.dma_semaphore, #tpu.memory_space<semaphore_mem>>) src(%dma_wait3A_71 : memref<80xi32, #tpu.memory_space<hbm>>) dst(%arg9 : memref<80xi32, #tpu.memory_space<vmem>>)
          %dma_wait3A_72 = arith.constant 0 : i32
          %dma_wait3A_73 = tpu.memref_slice %arg4[%dma_wait3A_72] : memref<320000xi32, #tpu.memory_space<hbm>> -> memref<80xi32, #tpu.memory_space<hbm>>
          %dma_wait3A_74 = arith.constant 0 : i32
          %dma_wait3A_75 = tpu.memref_slice %arg4[%dma_wait3A_74] : memref<320000xi32, #tpu.memory_space<hbm>> -> memref<80xi32, #tpu.memory_space<hbm>>
          tpu.wait_dma2 semaphore(%arg17 : memref<!tpu.dma_semaphore, #tpu.memory_space<semaphore_mem>>) src(%dma_wait3A_75 : memref<80xi32, #tpu.memory_space<hbm>>) dst(%arg10 : memref<80xi32, #tpu.memory_space<vmem>>)
          %dma_start3A_76 = arith.constant 0 : i32
          %dma_start3A_77 = arith.constant 0 : i32
          %dma_start3A_78 = tpu.memref_slice %arg2[%dma_start3A_76, %dma_start3A_77] : memref<10000x128xf32, #tpu.memory_space<hbm>> -> memref<10000x128xf32, #tpu.memory_space<hbm>>
          tpu.enqueue_indirect_dma source(%dma_start3A_78 : memref<10000x128xf32, #tpu.memory_space<hbm>>) target(%arg12 : memref<80x128xf32, #tpu.memory_space<vmem>>) offsets(%arg9 : memref<80xi32, #tpu.memory_space<vmem>>) semaphore(%arg19 : memref<!tpu.dma_semaphore, #tpu.memory_space<semaphore_mem>>)
        } else {
        }
        %dma_wait3A_58 = arith.constant 0 : i32
        %dma_wait3A_59 = arith.constant 0 : i32
        %dma_wait3A_60 = tpu.memref_slice %arg2[%dma_wait3A_58, %dma_wait3A_59] : memref<10000x128xf32, #tpu.memory_space<hbm>> -> memref<10000x128xf32, #tpu.memory_space<hbm>>
        tpu.wait_indirect_dma semaphore(%arg18 : memref<!tpu.dma_semaphore, #tpu.memory_space<semaphore_mem>>) src(%dma_wait3A_60 : memref<10000x128xf32, #tpu.memory_space<hbm>>) dst(%arg11 : memref<80x128xf32, #tpu.memory_space<vmem>>)
        "tpu.region"() ({
          %run_scoped3A = tpu.sem_alloc : memref<!tpu.dma_semaphore, #tpu.memory_space<semaphore_mem>>
          %dma_start3A_68 = arith.constant 0 : i32
          %dma_start3A_69 = arith.constant 0 : i32
          %dma_start3A_70 = tpu.memref_slice %arg13[%dma_start3A_68, %dma_start3A_69] : memref<10112x128xf32, #tpu.memory_space<vmem_shared>> -> memref<10112x128xf32, #tpu.memory_space<vmem_shared>>
          tpu.enqueue_indirect_dma source(%arg11 : memref<80x128xf32, #tpu.memory_space<vmem>>) target(%dma_start3A_70 : memref<10112x128xf32, #tpu.memory_space<vmem_shared>>) offsets(%arg8 : memref<80xi32, #tpu.memory_space<vmem>>) semaphore(%run_scoped3A : memref<!tpu.dma_semaphore, #tpu.memory_space<semaphore_mem>>) {add = true}
          %dma_wait3A_71 = arith.constant 0 : i32
          %dma_wait3A_72 = arith.constant 0 : i32
          %dma_wait3A_73 = tpu.memref_slice %arg13[%dma_wait3A_71, %dma_wait3A_72] : memref<10112x128xf32, #tpu.memory_space<vmem_shared>> -> memref<10112x128xf32, #tpu.memory_space<vmem_shared>>
          tpu.wait_indirect_dma semaphore(%run_scoped3A : memref<!tpu.dma_semaphore, #tpu.memory_space<semaphore_mem>>) src(%arg11 : memref<80x128xf32, #tpu.memory_space<vmem>>) dst(%dma_wait3A_73 : memref<10112x128xf32, #tpu.memory_space<vmem_shared>>)
          tpu.yield
        }) : () -> ()
        %add3A_61 = arith.constant 2 : i32
        %add3A_62 = arith.addi %add3A_41, %add3A_61 : i32
        %lt3A_63 = arith.constant 125 : i32
        %lt3A_64 = arith.cmpi slt, %add3A_62, %lt3A_63 : i32
        %convert_element_type3A_65 = arith.extui %lt3A_64 : i1 to i32
        %cond3A_66 = arith.constant 0 : i32
        %cond3A_67 = arith.cmpi ne, %convert_element_type3A_65, %cond3A_66 : i32
        scf.if %cond3A_67 {
          %add3A_68 = arith.constant 2 : i32
          %add3A_69 = arith.addi %add3A_41, %add3A_68 : i32
          %mul3A_70 = arith.constant 80 : i32
          %mul3A_71 = arith.muli %add3A_69, %mul3A_70 : i32
          %add3A_72 = arith.addi %mul3A_2, %mul3A_71 : i32
          %multiple_of3A_73 = tpu.assume_multiple %add3A_72, 8 : i32
          %dma_start3A_74 = tpu.memref_slice %arg3[%multiple_of3A_73] : memref<320000xi32, #tpu.memory_space<hbm>> -> memref<80xi32, #tpu.memory_space<hbm>>
          %dma_start3A_75 = tpu.memref_slice %arg3[%multiple_of3A_73] : memref<320000xi32, #tpu.memory_space<hbm>> -> memref<80xi32, #tpu.memory_space<hbm>>
          tpu.enqueue_dma source(%dma_start3A_75 : memref<80xi32, #tpu.memory_space<hbm>>) target(%arg7 : memref<80xi32, #tpu.memory_space<vmem>>) target_semaphore(%arg14 : memref<!tpu.dma_semaphore, #tpu.memory_space<semaphore_mem>>)
          %dma_start3A_76 = tpu.memref_slice %arg4[%multiple_of3A_73] : memref<320000xi32, #tpu.memory_space<hbm>> -> memref<80xi32, #tpu.memory_space<hbm>>
          %dma_start3A_77 = tpu.memref_slice %arg4[%multiple_of3A_73] : memref<320000xi32, #tpu.memory_space<hbm>> -> memref<80xi32, #tpu.memory_space<hbm>>
          tpu.enqueue_dma source(%dma_start3A_77 : memref<80xi32, #tpu.memory_space<hbm>>) target(%arg8 : memref<80xi32, #tpu.memory_space<vmem>>) target_semaphore(%arg15 : memref<!tpu.dma_semaphore, #tpu.memory_space<semaphore_mem>>)
        } else {
        }
      } else {
      }
      %add3A_44 = arith.constant 1 : i32
      %add3A_45 = arith.addi %mul3A_39, %add3A_44 : i32
      %lt3A_46 = arith.constant 125 : i32
      %lt3A_47 = arith.cmpi slt, %add3A_45, %lt3A_46 : i32
      %convert_element_type3A_48 = arith.extui %lt3A_47 : i1 to i32
      %cond3A_49 = arith.constant 0 : i32
      %cond3A_50 = arith.cmpi ne, %convert_element_type3A_48, %cond3A_49 : i32
      scf.if %cond3A_50 {
        %add3A_51 = arith.constant 1 : i32
        %add3A_52 = arith.addi %add3A_45, %add3A_51 : i32
        %lt3A_53 = arith.constant 125 : i32
        %lt3A_54 = arith.cmpi slt, %add3A_52, %lt3A_53 : i32
        %convert_element_type3A_55 = arith.extui %lt3A_54 : i1 to i32
        %cond3A_56 = arith.constant 0 : i32
        %cond3A_57 = arith.cmpi ne, %convert_element_type3A_55, %cond3A_56 : i32
        scf.if %cond3A_57 {
          %dma_wait3A_68 = arith.constant 0 : i32
          %dma_wait3A_69 = tpu.memref_slice %arg3[%dma_wait3A_68] : memref<320000xi32, #tpu.memory_space<hbm>> -> memref<80xi32, #tpu.memory_space<hbm>>
          %dma_wait3A_70 = arith.constant 0 : i32
          %dma_wait3A_71 = tpu.memref_slice %arg3[%dma_wait3A_70] : memref<320000xi32, #tpu.memory_space<hbm>> -> memref<80xi32, #tpu.memory_space<hbm>>
          tpu.wait_dma2 semaphore(%arg14 : memref<!tpu.dma_semaphore, #tpu.memory_space<semaphore_mem>>) src(%dma_wait3A_71 : memref<80xi32, #tpu.memory_space<hbm>>) dst(%arg7 : memref<80xi32, #tpu.memory_space<vmem>>)
          %dma_wait3A_72 = arith.constant 0 : i32
          %dma_wait3A_73 = tpu.memref_slice %arg4[%dma_wait3A_72] : memref<320000xi32, #tpu.memory_space<hbm>> -> memref<80xi32, #tpu.memory_space<hbm>>
          %dma_wait3A_74 = arith.constant 0 : i32
          %dma_wait3A_75 = tpu.memref_slice %arg4[%dma_wait3A_74] : memref<320000xi32, #tpu.memory_space<hbm>> -> memref<80xi32, #tpu.memory_space<hbm>>
          tpu.wait_dma2 semaphore(%arg15 : memref<!tpu.dma_semaphore, #tpu.memory_space<semaphore_mem>>) src(%dma_wait3A_75 : memref<80xi32, #tpu.memory_space<hbm>>) dst(%arg8 : memref<80xi32, #tpu.memory_space<vmem>>)
          %dma_start3A_76 = arith.constant 0 : i32
          %dma_start3A_77 = arith.constant 0 : i32
          %dma_start3A_78 = tpu.memref_slice %arg2[%dma_start3A_76, %dma_start3A_77] : memref<10000x128xf32, #tpu.memory_space<hbm>> -> memref<10000x128xf32, #tpu.memory_space<hbm>>
          tpu.enqueue_indirect_dma source(%dma_start3A_78 : memref<10000x128xf32, #tpu.memory_space<hbm>>) target(%arg11 : memref<80x128xf32, #tpu.memory_space<vmem>>) offsets(%arg7 : memref<80xi32, #tpu.memory_space<vmem>>) semaphore(%arg18 : memref<!tpu.dma_semaphore, #tpu.memory_space<semaphore_mem>>)
        } else {
        }
        %dma_wait3A_58 = arith.constant 0 : i32
        %dma_wait3A_59 = arith.constant 0 : i32
        %dma_wait3A_60 = tpu.memref_slice %arg2[%dma_wait3A_58, %dma_wait3A_59] : memref<10000x128xf32, #tpu.memory_space<hbm>> -> memref<10000x128xf32, #tpu.memory_space<hbm>>
        tpu.wait_indirect_dma semaphore(%arg19 : memref<!tpu.dma_semaphore, #tpu.memory_space<semaphore_mem>>) src(%dma_wait3A_60 : memref<10000x128xf32, #tpu.memory_space<hbm>>) dst(%arg12 : memref<80x128xf32, #tpu.memory_space<vmem>>)
        "tpu.region"() ({
          %run_scoped3A = tpu.sem_alloc : memref<!tpu.dma_semaphore, #tpu.memory_space<semaphore_mem>>
          %dma_start3A_68 = arith.constant 0 : i32
          %dma_start3A_69 = arith.constant 0 : i32
          %dma_start3A_70 = tpu.memref_slice %arg13[%dma_start3A_68, %dma_start3A_69] : memref<10112x128xf32, #tpu.memory_space<vmem_shared>> -> memref<10112x128xf32, #tpu.memory_space<vmem_shared>>
          tpu.enqueue_indirect_dma source(%arg12 : memref<80x128xf32, #tpu.memory_space<vmem>>) target(%dma_start3A_70 : memref<10112x128xf32, #tpu.memory_space<vmem_shared>>) offsets(%arg10 : memref<80xi32, #tpu.memory_space<vmem>>) semaphore(%run_scoped3A : memref<!tpu.dma_semaphore, #tpu.memory_space<semaphore_mem>>) {add = true}
          %dma_wait3A_71 = arith.constant 0 : i32
          %dma_wait3A_72 = arith.constant 0 : i32
          %dma_wait3A_73 = tpu.memref_slice %arg13[%dma_wait3A_71, %dma_wait3A_72] : memref<10112x128xf32, #tpu.memory_space<vmem_shared>> -> memref<10112x128xf32, #tpu.memory_space<vmem_shared>>
          tpu.wait_indirect_dma semaphore(%run_scoped3A : memref<!tpu.dma_semaphore, #tpu.memory_space<semaphore_mem>>) src(%arg12 : memref<80x128xf32, #tpu.memory_space<vmem>>) dst(%dma_wait3A_73 : memref<10112x128xf32, #tpu.memory_space<vmem_shared>>)
          tpu.yield
        }) : () -> ()
        %add3A_61 = arith.constant 2 : i32
        %add3A_62 = arith.addi %add3A_45, %add3A_61 : i32
        %lt3A_63 = arith.constant 125 : i32
        %lt3A_64 = arith.cmpi slt, %add3A_62, %lt3A_63 : i32
        %convert_element_type3A_65 = arith.extui %lt3A_64 : i1 to i32
        %cond3A_66 = arith.constant 0 : i32
        %cond3A_67 = arith.cmpi ne, %convert_element_type3A_65, %cond3A_66 : i32
        scf.if %cond3A_67 {
          %add3A_68 = arith.constant 2 : i32
          %add3A_69 = arith.addi %add3A_45, %add3A_68 : i32
          %mul3A_70 = arith.constant 80 : i32
          %mul3A_71 = arith.muli %add3A_69, %mul3A_70 : i32
          %add3A_72 = arith.addi %mul3A_2, %mul3A_71 : i32
          %multiple_of3A_73 = tpu.assume_multiple %add3A_72, 8 : i32
          %dma_start3A_74 = tpu.memref_slice %arg3[%multiple_of3A_73] : memref<320000xi32, #tpu.memory_space<hbm>> -> memref<80xi32, #tpu.memory_space<hbm>>
          %dma_start3A_75 = tpu.memref_slice %arg3[%multiple_of3A_73] : memref<320000xi32, #tpu.memory_space<hbm>> -> memref<80xi32, #tpu.memory_space<hbm>>
          tpu.enqueue_dma source(%dma_start3A_75 : memref<80xi32, #tpu.memory_space<hbm>>) target(%arg9 : memref<80xi32, #tpu.memory_space<vmem>>) target_semaphore(%arg16 : memref<!tpu.dma_semaphore, #tpu.memory_space<semaphore_mem>>)
          %dma_start3A_76 = tpu.memref_slice %arg4[%multiple_of3A_73] : memref<320000xi32, #tpu.memory_space<hbm>> -> memref<80xi32, #tpu.memory_space<hbm>>
          %dma_start3A_77 = tpu.memref_slice %arg4[%multiple_of3A_73] : memref<320000xi32, #tpu.memory_space<hbm>> -> memref<80xi32, #tpu.memory_space<hbm>>
          tpu.enqueue_dma source(%dma_start3A_77 : memref<80xi32, #tpu.memory_space<hbm>>) target(%arg10 : memref<80xi32, #tpu.memory_space<vmem>>) target_semaphore(%arg17 : memref<!tpu.dma_semaphore, #tpu.memory_space<semaphore_mem>>)
        } else {
        }
      } else {
      }
    }
    %scan3A_31 = arith.constant 63 : i32
    %barrier3A_32 = arith.constant 0 : index
    tpu.barrier barrier_id(%barrier3A_32)
    %mul3A_33 = arith.constant 632 : i32
    %mul3A_34 = arith.muli %arg1, %mul3A_33 : i32
    %mul3A_35 = arith.constant 632 : i32
    %mul3A_36 = arith.muli %arg1, %mul3A_35 : i32
    "tpu.region"() ({
      %run_scoped3A = tpu.sem_alloc : memref<!tpu.dma_semaphore, #tpu.memory_space<semaphore_mem>>
      %dma_start3A_37 = arith.constant 0 : i32
      %dma_start3A_38 = tpu.memref_slice %arg6[%arg0, %mul3A_36, %dma_start3A_37] : memref<2x10112x128xf32, #tpu.memory_space<hbm>> -> memref<1x632x128xf32, #tpu.memory_space<hbm>>
      %dma_start3A_39 = tpu.memref_squeeze %dma_start3A_38 : memref<1x632x128xf32, #tpu.memory_space<hbm>> -> memref<632x128xf32, #tpu.memory_space<hbm>>
      %dma_start3A_40 = arith.constant 0 : i32
      %dma_start3A_41 = tpu.memref_slice %arg13[%mul3A_34, %dma_start3A_40] : memref<10112x128xf32, #tpu.memory_space<vmem_shared>> -> memref<632x128xf32, #tpu.memory_space<vmem_shared>>
      tpu.enqueue_dma source(%dma_start3A_41 : memref<632x128xf32, #tpu.memory_space<vmem_shared>>) target(%dma_start3A_39 : memref<632x128xf32, #tpu.memory_space<hbm>>) target_semaphore(%run_scoped3A : memref<!tpu.dma_semaphore, #tpu.memory_space<semaphore_mem>>)
      %dma_wait3A_42 = arith.constant 0 : i32
      %dma_wait3A_43 = tpu.memref_slice %arg6[%arg0, %mul3A_36, %dma_wait3A_42] : memref<2x10112x128xf32, #tpu.memory_space<hbm>> -> memref<1x632x128xf32, #tpu.memory_space<hbm>>
      %dma_wait3A_44 = tpu.memref_squeeze %dma_wait3A_43 : memref<1x632x128xf32, #tpu.memory_space<hbm>> -> memref<632x128xf32, #tpu.memory_space<hbm>>
      %dma_wait3A_45 = arith.constant 0 : i32
      %dma_wait3A_46 = tpu.memref_slice %arg13[%mul3A_34, %dma_wait3A_45] : memref<10112x128xf32, #tpu.memory_space<vmem_shared>> -> memref<632x128xf32, #tpu.memory_space<vmem_shared>>
      tpu.wait_dma2 semaphore(%run_scoped3A : memref<!tpu.dma_semaphore, #tpu.memory_space<semaphore_mem>>) src(%dma_wait3A_46 : memref<632x128xf32, #tpu.memory_space<vmem_shared>>) dst(%dma_wait3A_44 : memref<632x128xf32, #tpu.memory_space<hbm>>)
      tpu.yield
    }) : () -> ()
    return
  }
}

module attributes {stable_mosaic.version = 14 : i64} {
  func.func @_sn_body(%arg0: i32, %arg1: memref<1x128x128xf32, #tpu.memory_space<vmem>>, %arg2: memref<1x128x128xf32, #tpu.memory_space<vmem>>) attributes {dimension_semantics = [#tpu.dimension_semantics<arbitrary>], iteration_bounds = array<i64: 5>, scalar_prefetch = 0 : i64, scratch_operands = 0 : i64, tpu.core_type = #tpu.core_type<tc>, window_params = [{transform_indices = @transform_0, window_bounds = array<i64: 1, 128, 128>}, {transform_indices = @transform_1, window_bounds = array<i64: 1, 128, 128>}]} {
    %get3A = arith.constant 0 : index
    %get3A_0 = arith.constant 0 : index
    %get3A_1 = arith.constant 0 : index
    %get3A_2 = vector.load %arg1[%get3A, %get3A_0, %get3A_1] : memref<1x128x128xf32, #tpu.memory_space<vmem>>, vector<1x128x128xf32>
    %get3A_3 = vector.shape_cast %get3A_2 : vector<1x128x128xf32> to vector<128x128xf32>
    %iota3A = tpu.iota {dimensions = array<i32: 0>} : vector<128x128xi32>
    %iota3A_4 = tpu.iota {dimensions = array<i32: 1>} : vector<128x128xi32>
    %eq3A = arith.cmpi eq, %iota3A, %iota3A_4 : vector<128x128xi32>
    %dot_general3A = arith.constant dense<0.000000e+00> : vector<128x128xf32>
    %dot_general3A_5 = tpu.matmul %get3A_3, %get3A_3, %dot_general3A {dimension_numbers = #tpu.dot_dimension_numbers<[1], [1], [0], [0], [0, 0, 1, 0], [], []>, transpose_lhs_hint = false} : vector<128x128xf32>, vector<128x128xf32>, vector<128x128xf32> -> vector<128x128xf32>
    %jit3A = arith.constant 0.000000e+00 : f32
    %broadcast_in_dim3A = vector.broadcast %jit3A : f32 to vector<128x128xf32>
    %select_n3A = arith.select %eq3A, %dot_general3A_5, %broadcast_in_dim3A : vector<128x128xi1>, vector<128x128xf32>
    %reduce_sum3A = vector.shape_cast %select_n3A : vector<128x128xf32> to vector<1x128x128xf32>
    %reduce_sum3A_6 = arith.constant dense<0.000000e+00> : vector<1xf32>
    %reduce_sum3A_7 = vector.multi_reduction <add>, %reduce_sum3A, %reduce_sum3A_6 [1, 2] : vector<1x128x128xf32> to vector<1xf32>
    %reduce_sum3A_8 = vector.shape_cast %reduce_sum3A_7 : vector<1xf32> to vector<1x1x1xf32>
    %reduce_sum3A_9 = vector.extract %reduce_sum3A_8[0, 0, 0] : f32 from vector<1x1x1xf32>
    %add3A = arith.constant 1.000000e-30 : f32
    %add3A_10 = arith.addf %reduce_sum3A_9, %add3A : f32
    %div3A = vector.broadcast %add3A_10 : f32 to vector<128x128xf32>
    %div3A_11 = arith.divf %dot_general3A_5, %div3A : vector<128x128xf32>
    %scan3A = arith.constant 0 : i32
    %scan3A_12 = arith.constant 17 : i32
    %scan3A_13 = arith.addi %scan3A, %scan3A_12 : i32
    %scan3A_14 = arith.constant 1 : i32
    %scan3A_15 = scf.for %scan3A_31 = %scan3A to %scan3A_13 step %scan3A_14 iter_args(%scan3A_32 = %div3A_11) -> (vector<128x128xf32>)  : i32 {
      %dot_general3A_33 = arith.constant dense<0.000000e+00> : vector<128x128xf32>
      %dot_general3A_34 = tpu.matmul %scan3A_32, %scan3A_32, %dot_general3A_33 {dimension_numbers = #tpu.dot_dimension_numbers<[1], [0], [0], [1], [0, 0, 1, 1], [], []>, transpose_lhs_hint = false} : vector<128x128xf32>, vector<128x128xf32>, vector<128x128xf32> -> vector<128x128xf32>
      %jit3A_35 = arith.constant 0.000000e+00 : f32
      %broadcast_in_dim3A_36 = vector.broadcast %jit3A_35 : f32 to vector<128x128xf32>
      %select_n3A_37 = arith.select %eq3A, %dot_general3A_34, %broadcast_in_dim3A_36 : vector<128x128xi1>, vector<128x128xf32>
      %reduce_sum3A_38 = vector.shape_cast %select_n3A_37 : vector<128x128xf32> to vector<1x128x128xf32>
      %reduce_sum3A_39 = arith.constant dense<0.000000e+00> : vector<1xf32>
      %reduce_sum3A_40 = vector.multi_reduction <add>, %reduce_sum3A_38, %reduce_sum3A_39 [1, 2] : vector<1x128x128xf32> to vector<1xf32>
      %reduce_sum3A_41 = vector.shape_cast %reduce_sum3A_40 : vector<1xf32> to vector<1x1x1xf32>
      %reduce_sum3A_42 = vector.extract %reduce_sum3A_41[0, 0, 0] : f32 from vector<1x1x1xf32>
      %add3A_43 = arith.constant 1.000000e-30 : f32
      %add3A_44 = arith.addf %reduce_sum3A_42, %add3A_43 : f32
      %div3A_45 = vector.broadcast %add3A_44 : f32 to vector<128x128xf32>
      %div3A_46 = arith.divf %dot_general3A_34, %div3A_45 : vector<128x128xf32>
      scf.yield %div3A_46 : vector<128x128xf32>
    }
    %mul3A = arith.mulf %scan3A_15, %dot_general3A_5 : vector<128x128xf32>
    %reduce_sum3A_16 = vector.shape_cast %mul3A : vector<128x128xf32> to vector<1x128x128xf32>
    %reduce_sum3A_17 = arith.constant dense<0.000000e+00> : vector<1xf32>
    %reduce_sum3A_18 = vector.multi_reduction <add>, %reduce_sum3A_16, %reduce_sum3A_17 [1, 2] : vector<1x128x128xf32> to vector<1xf32>
    %reduce_sum3A_19 = vector.shape_cast %reduce_sum3A_18 : vector<1xf32> to vector<1x1x1xf32>
    %reduce_sum3A_20 = vector.extract %reduce_sum3A_19[0, 0, 0] : f32 from vector<1x1x1xf32>
    %max3A = arith.constant 0.000000e+00 : f32
    %max3A_21 = arith.maximumf %reduce_sum3A_20, %max3A : f32
    %sqrt3A = math.sqrt %max3A_21 : f32
    %add3A_22 = arith.constant 9.99999996E-13 : f32
    %add3A_23 = arith.addf %sqrt3A, %add3A_22 : f32
    %div3A_24 = vector.broadcast %add3A_23 : f32 to vector<128x128xf32>
    %div3A_25 = arith.divf %get3A_3, %div3A_24 : vector<128x128xf32>
    %swap3A = arith.constant 0 : index
    %swap3A_26 = arith.constant 0 : index
    %swap3A_27 = arith.constant 0 : index
    %swap3A_28 = vector.load %arg2[%swap3A, %swap3A_26, %swap3A_27] : memref<1x128x128xf32, #tpu.memory_space<vmem>>, vector<1x128x128xf32>
    %swap3A_29 = vector.shape_cast %swap3A_28 : vector<1x128x128xf32> to vector<128x128xf32>
    %swap3A_30 = vector.shape_cast %div3A_25 : vector<128x128xf32> to vector<1x128x128xf32>
    tpu.vector_store %arg2[%swap3A, %swap3A_26, %swap3A_27], %swap3A_30 {strides = array<i32>} : memref<1x128x128xf32, #tpu.memory_space<vmem>>, vector<1x128x128xf32>,
    return
  }
  func.func @transform_0(%arg0: i32) -> (i32, i32, i32) {
    %c0_i32 = arith.constant 0 : i32
    %c0_i32_0 = arith.constant 0 : i32
    %c0_i32_1 = arith.constant 0 : i32
    return %arg0, %c0_i32, %c0_i32_0 : i32, i32, i32
  }
  func.func @transform_1(%arg0: i32) -> (i32, i32, i32) {
    %c0_i32 = arith.constant 0 : i32
    %c0_i32_0 = arith.constant 0 : i32
    %c0_i32_1 = arith.constant 0 : i32
    return %arg0, %c0_i32, %c0_i32_0 : i32, i32, i32
  }
}

module attributes {stable_mosaic.version = 14 : i64} {
  func.func @_mm_scale_body(%arg0: i32, %arg1: memref<2000x128xf32, #tpu.memory_space<vmem>>, %arg2: memref<128x128xf32, #tpu.memory_space<vmem>>, %arg3: memref<2x2000x1xf32, #tpu.memory_space<vmem>>, %arg4: memref<2000x128xf32, #tpu.memory_space<vmem>>) attributes {dimension_semantics = [#tpu.dimension_semantics<arbitrary>], iteration_bounds = array<i64: 5>, scalar_prefetch = 0 : i64, scratch_operands = 0 : i64, tpu.core_type = #tpu.core_type<tc>, window_params = [{transform_indices = @transform_0, window_bounds = array<i64: 2000, 128>}, {pipeline_mode = #tpu.pipeline_mode<synchronous>, transform_indices = @transform_1, window_bounds = array<i64: 128, 128>}, {transform_indices = @transform_2, window_bounds = array<i64: 2, 2000, 1>}, {transform_indices = @transform_3, window_bounds = array<i64: 2000, 128>}]} {
    %get3A = arith.constant 0 : index
    %get3A_0 = arith.constant 0 : index
    %get3A_1 = arith.constant 0 : index
    %get3A_2 = vector.load %arg3[%get3A, %get3A_0, %get3A_1] : memref<2x2000x1xf32, #tpu.memory_space<vmem>>, vector<2x2000x1xf32>
    %slice3A = vector.extract_strided_slice %get3A_2 {offsets = [0, 0, 0], sizes = [1, 2000, 1], strides = [1, 1, 1]} : vector<2x2000x1xf32> to vector<1x2000x1xf32>
    %squeeze3A = vector.shape_cast %slice3A : vector<1x2000x1xf32> to vector<2000xf32>
    %slice3A_3 = vector.extract_strided_slice %get3A_2 {offsets = [1, 0, 0], sizes = [1, 2000, 1], strides = [1, 1, 1]} : vector<2x2000x1xf32> to vector<1x2000x1xf32>
    %squeeze3A_4 = vector.shape_cast %slice3A_3 : vector<1x2000x1xf32> to vector<2000xf32>
    %add3A = arith.addf %squeeze3A, %squeeze3A_4 : vector<2000xf32>
    %add3A_5 = arith.constant 1.000000e+00 : f32
    %add3A_6 = vector.broadcast %add3A_5 : f32 to vector<2000xf32>
    %add3A_7 = arith.addf %add3A, %add3A_6 : vector<2000xf32>
    %rsqrt3A = math.rsqrt %add3A_7 : vector<2000xf32>
    %broadcast_in_dim3A = vector.shape_cast %rsqrt3A : vector<2000xf32> to vector<2000x1xf32>
    %get3A_8 = arith.constant 0 : index
    %get3A_9 = arith.constant 0 : index
    %get3A_10 = vector.load %arg1[%get3A_8, %get3A_9] : memref<2000x128xf32, #tpu.memory_space<vmem>>, vector<2000x128xf32>
    %get3A_11 = arith.constant 0 : index
    %get3A_12 = arith.constant 0 : index
    %get3A_13 = vector.load %arg2[%get3A_11, %get3A_12] : memref<128x128xf32, #tpu.memory_space<vmem>>, vector<128x128xf32>
    %dot_general3A = arith.constant dense<0.000000e+00> : vector<2000x128xf32>
    %dot_general3A_14 = tpu.matmul %get3A_10, %get3A_13, %dot_general3A {dimension_numbers = #tpu.dot_dimension_numbers<[1], [1], [0], [0], [0, 0, 1, 0], [], []>, transpose_lhs_hint = false} : vector<2000x128xf32>, vector<128x128xf32>, vector<2000x128xf32> -> vector<2000x128xf32>
    %mul3A = vector.broadcast %broadcast_in_dim3A : vector<2000x1xf32> to vector<2000x128xf32>
    %mul3A_15 = arith.mulf %dot_general3A_14, %mul3A : vector<2000x128xf32>
    %swap3A = arith.constant 0 : index
    %swap3A_16 = arith.constant 0 : index
    %swap3A_17 = vector.load %arg4[%swap3A, %swap3A_16] : memref<2000x128xf32, #tpu.memory_space<vmem>>, vector<2000x128xf32>
    tpu.vector_store %arg4[%swap3A, %swap3A_16], %mul3A_15 {strides = array<i32>} : memref<2000x128xf32, #tpu.memory_space<vmem>>, vector<2000x128xf32>,
    return
  }
  func.func @transform_0(%arg0: i32) -> (i32, i32) {
    %c0_i32 = arith.constant 0 : i32
    %c0_i32_0 = arith.constant 0 : i32
    return %arg0, %c0_i32 : i32, i32
  }
  func.func @transform_1(%arg0: i32) -> (i32, i32) {
    %c0_i32 = arith.constant 0 : i32
    %c0_i32_0 = arith.constant 0 : i32
    %c0_i32_1 = arith.constant 0 : i32
    return %c0_i32, %c0_i32_0 : i32, i32
  }
  func.func @transform_2(%arg0: i32) -> (i32, i32, i32) {
    %c0_i32 = arith.constant 0 : i32
    %c0_i32_0 = arith.constant 0 : i32
    %c0_i32_1 = arith.constant 0 : i32
    return %c0_i32, %arg0, %c0_i32_0 : i32, i32, i32
  }
  func.func @transform_3(%arg0: i32) -> (i32, i32) {
    %c0_i32 = arith.constant 0 : i32
    %c0_i32_0 = arith.constant 0 : i32
    return %arg0, %c0_i32 : i32, i32
  }
}

module attributes {stable_mosaic.version = 14 : i64} {
  func.func @_layer2_body(%arg0: i32, %arg1: memref<2x2000x128xf32, #tpu.memory_space<vmem>>, %arg2: memref<2000x128xf32, #tpu.memory_space<vmem>>, %arg3: memref<2x2000x1xf32, #tpu.memory_space<vmem>>, %arg4: memref<1x128xf32, #tpu.memory_space<vmem>>, %arg5: memref<128x128xf32, #tpu.memory_space<vmem>>, %arg6: memref<2000x128xf32, #tpu.memory_space<vmem>>) attributes {dimension_semantics = [#tpu.dimension_semantics<arbitrary>], iteration_bounds = array<i64: 5>, scalar_prefetch = 0 : i64, scratch_operands = 0 : i64, tpu.core_type = #tpu.core_type<tc>, window_params = [{transform_indices = @transform_0, window_bounds = array<i64: 2, 2000, 128>}, {transform_indices = @transform_1, window_bounds = array<i64: 2000, 128>}, {transform_indices = @transform_2, window_bounds = array<i64: 2, 2000, 1>}, {pipeline_mode = #tpu.pipeline_mode<synchronous>, transform_indices = @transform_3, window_bounds = array<i64: 1, 128>}, {pipeline_mode = #tpu.pipeline_mode<synchronous>, transform_indices = @transform_4, window_bounds = array<i64: 128, 128>}, {transform_indices = @transform_5, window_bounds = array<i64: 2000, 128>}]} {
    %get3A = arith.constant 0 : index
    %get3A_0 = arith.constant 0 : index
    %get3A_1 = arith.constant 0 : index
    %get3A_2 = vector.load %arg3[%get3A, %get3A_0, %get3A_1] : memref<2x2000x1xf32, #tpu.memory_space<vmem>>, vector<2x2000x1xf32>
    %slice3A = vector.extract_strided_slice %get3A_2 {offsets = [0, 0, 0], sizes = [1, 2000, 1], strides = [1, 1, 1]} : vector<2x2000x1xf32> to vector<1x2000x1xf32>
    %squeeze3A = vector.shape_cast %slice3A : vector<1x2000x1xf32> to vector<2000xf32>
    %slice3A_3 = vector.extract_strided_slice %get3A_2 {offsets = [1, 0, 0], sizes = [1, 2000, 1], strides = [1, 1, 1]} : vector<2x2000x1xf32> to vector<1x2000x1xf32>
    %squeeze3A_4 = vector.shape_cast %slice3A_3 : vector<1x2000x1xf32> to vector<2000xf32>
    %add3A = arith.addf %squeeze3A, %squeeze3A_4 : vector<2000xf32>
    %add3A_5 = arith.constant 1.000000e+00 : f32
    %add3A_6 = vector.broadcast %add3A_5 : f32 to vector<2000xf32>
    %add3A_7 = arith.addf %add3A, %add3A_6 : vector<2000xf32>
    %rsqrt3A = math.rsqrt %add3A_7 : vector<2000xf32>
    %broadcast_in_dim3A = vector.shape_cast %rsqrt3A : vector<2000xf32> to vector<2000x1xf32>
    %get3A_8 = arith.constant 0 : index
    %get3A_9 = arith.constant 0 : index
    %get3A_10 = arith.constant 0 : index
    %get3A_11 = vector.load %arg1[%get3A_8, %get3A_9, %get3A_10] : memref<2x2000x128xf32, #tpu.memory_space<vmem>>, vector<1x2000x128xf32>
    %get3A_12 = vector.shape_cast %get3A_11 : vector<1x2000x128xf32> to vector<2000x128xf32>
    %get3A_13 = arith.constant 1 : index
    %get3A_14 = arith.constant 0 : index
    %get3A_15 = arith.constant 0 : index
    %get3A_16 = vector.load %arg1[%get3A_13, %get3A_14, %get3A_15] : memref<2x2000x128xf32, #tpu.memory_space<vmem>>, vector<1x2000x128xf32>
    %get3A_17 = vector.shape_cast %get3A_16 : vector<1x2000x128xf32> to vector<2000x128xf32>
    %add3A_18 = arith.addf %get3A_12, %get3A_17 : vector<2000x128xf32>
    %get3A_19 = arith.constant 0 : index
    %get3A_20 = arith.constant 0 : index
    %get3A_21 = vector.load %arg2[%get3A_19, %get3A_20] : memref<2000x128xf32, #tpu.memory_space<vmem>>, vector<2000x128xf32>
    %add3A_22 = arith.addf %add3A_18, %get3A_21 : vector<2000x128xf32>
    %mul3A = vector.broadcast %broadcast_in_dim3A : vector<2000x1xf32> to vector<2000x128xf32>
    %mul3A_23 = arith.mulf %add3A_22, %mul3A : vector<2000x128xf32>
    %get3A_24 = arith.constant 0 : index
    %get3A_25 = arith.constant 0 : index
    %get3A_26 = vector.load %arg4[%get3A_24, %get3A_25] : memref<1x128xf32, #tpu.memory_space<vmem>>, vector<1x128xf32>
    %add3A_27 = vector.broadcast %get3A_26 : vector<1x128xf32> to vector<2000x128xf32>
    %add3A_28 = arith.addf %mul3A_23, %add3A_27 : vector<2000x128xf32>
    %ge3A = arith.constant 0.000000e+00 : f32
    %ge3A_29 = vector.broadcast %ge3A : f32 to vector<2000x128xf32>
    %ge3A_30 = arith.cmpf oge, %add3A_28, %ge3A_29 : vector<2000x128xf32>
    %mul3A_31 = arith.constant 2.000000e-01 : f32
    %mul3A_32 = vector.broadcast %mul3A_31 : f32 to vector<2000x128xf32>
    %mul3A_33 = arith.mulf %mul3A_32, %add3A_28 : vector<2000x128xf32>
    %select_n3A = arith.select %ge3A_30, %add3A_28, %mul3A_33 : vector<2000x128xi1>, vector<2000x128xf32>
    %get3A_34 = arith.constant 0 : index
    %get3A_35 = arith.constant 0 : index
    %get3A_36 = vector.load %arg5[%get3A_34, %get3A_35] : memref<128x128xf32, #tpu.memory_space<vmem>>, vector<128x128xf32>
    %dot_general3A = arith.constant dense<0.000000e+00> : vector<2000x128xf32>
    %dot_general3A_37 = tpu.matmul %select_n3A, %get3A_36, %dot_general3A {dimension_numbers = #tpu.dot_dimension_numbers<[1], [1], [0], [0], [0, 0, 1, 0], [], []>, transpose_lhs_hint = false} : vector<2000x128xf32>, vector<128x128xf32>, vector<2000x128xf32> -> vector<2000x128xf32>
    %mul3A_38 = vector.broadcast %broadcast_in_dim3A : vector<2000x1xf32> to vector<2000x128xf32>
    %mul3A_39 = arith.mulf %dot_general3A_37, %mul3A_38 : vector<2000x128xf32>
    %swap3A = arith.constant 0 : index
    %swap3A_40 = arith.constant 0 : index
    %swap3A_41 = vector.load %arg6[%swap3A, %swap3A_40] : memref<2000x128xf32, #tpu.memory_space<vmem>>, vector<2000x128xf32>
    tpu.vector_store %arg6[%swap3A, %swap3A_40], %mul3A_39 {strides = array<i32>} : memref<2000x128xf32, #tpu.memory_space<vmem>>, vector<2000x128xf32>,
    return
  }
  func.func @transform_0(%arg0: i32) -> (i32, i32, i32) {
    %c0_i32 = arith.constant 0 : i32
    %c0_i32_0 = arith.constant 0 : i32
    %c0_i32_1 = arith.constant 0 : i32
    return %c0_i32, %arg0, %c0_i32_0 : i32, i32, i32
  }
  func.func @transform_1(%arg0: i32) -> (i32, i32) {
    %c0_i32 = arith.constant 0 : i32
    %c0_i32_0 = arith.constant 0 : i32
    return %arg0, %c0_i32 : i32, i32
  }
  func.func @transform_2(%arg0: i32) -> (i32, i32, i32) {
    %c0_i32 = arith.constant 0 : i32
    %c0_i32_0 = arith.constant 0 : i32
    %c0_i32_1 = arith.constant 0 : i32
    return %c0_i32, %arg0, %c0_i32_0 : i32, i32, i32
  }
  func.func @transform_3(%arg0: i32) -> (i32, i32) {
    %c0_i32 = arith.constant 0 : i32
    %c0_i32_0 = arith.constant 0 : i32
    %c0_i32_1 = arith.constant 0 : i32
    return %c0_i32, %c0_i32_0 : i32, i32
  }
  func.func @transform_4(%arg0: i32) -> (i32, i32) {
    %c0_i32 = arith.constant 0 : i32
    %c0_i32_0 = arith.constant 0 : i32
    %c0_i32_1 = arith.constant 0 : i32
    return %c0_i32, %c0_i32_0 : i32, i32
  }
  func.func @transform_5(%arg0: i32) -> (i32, i32) {
    %c0_i32 = arith.constant 0 : i32
    %c0_i32_0 = arith.constant 0 : i32
    return %arg0, %c0_i32 : i32, i32
  }
}

module attributes {stable_mosaic.version = 14 : i64} {
  func.func @_final_body(%arg0: i32, %arg1: memref<2x2000x128xf32, #tpu.memory_space<vmem>>, %arg2: memref<2000x128xf32, #tpu.memory_space<vmem>>, %arg3: memref<2x2000x1xf32, #tpu.memory_space<vmem>>, %arg4: memref<1x128xf32, #tpu.memory_space<vmem>>, %arg5: memref<128x128xf32, #tpu.memory_space<vmem>>, %arg6: memref<128x128xf32, #tpu.memory_space<vmem>>, %arg7: memref<128x128xf32, #tpu.memory_space<vmem>>, %arg8: memref<3x128xf32, #tpu.memory_space<vmem>>, %arg9: memref<1x1xf32, #tpu.memory_space<vmem>>, %arg10: memref<1x128xf32, #tpu.memory_space<vmem>>) attributes {dimension_semantics = [#tpu.dimension_semantics<arbitrary>], iteration_bounds = array<i64: 5>, scalar_prefetch = 0 : i64, scratch_operands = 1 : i64, tpu.core_type = #tpu.core_type<tc>, window_params = [{transform_indices = @transform_0, window_bounds = array<i64: 2, 2000, 128>}, {transform_indices = @transform_1, window_bounds = array<i64: 2000, 128>}, {transform_indices = @transform_2, window_bounds = array<i64: 2, 2000, 1>}, {pipeline_mode = #tpu.pipeline_mode<synchronous>, transform_indices = @transform_3, window_bounds = array<i64: 1, 128>}, {pipeline_mode = #tpu.pipeline_mode<synchronous>, transform_indices = @transform_4, window_bounds = array<i64: 128, 128>}, {pipeline_mode = #tpu.pipeline_mode<synchronous>, transform_indices = @transform_5, window_bounds = array<i64: 128, 128>}, {pipeline_mode = #tpu.pipeline_mode<synchronous>, transform_indices = @transform_6, window_bounds = array<i64: 128, 128>}, {pipeline_mode = #tpu.pipeline_mode<synchronous>, transform_indices = @transform_7, window_bounds = array<i64: 3, 128>}, {pipeline_mode = #tpu.pipeline_mode<synchronous>, transform_indices = @transform_8, window_bounds = array<i64: 1, 1>}]} {
    %eq3A = arith.constant 0 : i32
    %eq3A_0 = arith.cmpi eq, %arg0, %eq3A : i32
    %convert_element_type3A = arith.extui %eq3A_0 : i1 to i32
    %cond3A = arith.constant 0 : i32
    %cond3A_1 = arith.cmpi ne, %convert_element_type3A, %cond3A : i32
    scf.if %cond3A_1 {
      %broadcast_in_dim3A_49 = arith.constant 0.000000e+00 : f32
      %broadcast_in_dim3A_50 = vector.broadcast %broadcast_in_dim3A_49 : f32 to vector<1x128xf32>
      %swap3A_51 = arith.constant 0 : index
      %swap3A_52 = arith.constant 0 : index
      %swap3A_53 = vector.load %arg10[%swap3A_51, %swap3A_52] : memref<1x128xf32, #tpu.memory_space<vmem>>, vector<1x128xf32>
      tpu.vector_store %arg10[%swap3A_51, %swap3A_52], %broadcast_in_dim3A_50 {strides = array<i32>} : memref<1x128xf32, #tpu.memory_space<vmem>>, vector<1x128xf32>,
    } else {
    }
    %get3A = arith.constant 0 : index
    %get3A_2 = arith.constant 0 : index
    %get3A_3 = arith.constant 0 : index
    %get3A_4 = vector.load %arg3[%get3A, %get3A_2, %get3A_3] : memref<2x2000x1xf32, #tpu.memory_space<vmem>>, vector<2x2000x1xf32>
    %slice3A = vector.extract_strided_slice %get3A_4 {offsets = [0, 0, 0], sizes = [1, 2000, 1], strides = [1, 1, 1]} : vector<2x2000x1xf32> to vector<1x2000x1xf32>
    %squeeze3A = vector.shape_cast %slice3A : vector<1x2000x1xf32> to vector<2000xf32>
    %slice3A_5 = vector.extract_strided_slice %get3A_4 {offsets = [1, 0, 0], sizes = [1, 2000, 1], strides = [1, 1, 1]} : vector<2x2000x1xf32> to vector<1x2000x1xf32>
    %squeeze3A_6 = vector.shape_cast %slice3A_5 : vector<1x2000x1xf32> to vector<2000xf32>
    %add3A = arith.addf %squeeze3A, %squeeze3A_6 : vector<2000xf32>
    %add3A_7 = arith.constant 1.000000e+00 : f32
    %add3A_8 = vector.broadcast %add3A_7 : f32 to vector<2000xf32>
    %add3A_9 = arith.addf %add3A, %add3A_8 : vector<2000xf32>
    %rsqrt3A = math.rsqrt %add3A_9 : vector<2000xf32>
    %broadcast_in_dim3A = vector.shape_cast %rsqrt3A : vector<2000xf32> to vector<2000x1xf32>
    %get3A_10 = arith.constant 0 : index
    %get3A_11 = arith.constant 0 : index
    %get3A_12 = arith.constant 0 : index
    %get3A_13 = vector.load %arg1[%get3A_10, %get3A_11, %get3A_12] : memref<2x2000x128xf32, #tpu.memory_space<vmem>>, vector<1x2000x128xf32>
    %get3A_14 = vector.shape_cast %get3A_13 : vector<1x2000x128xf32> to vector<2000x128xf32>
    %get3A_15 = arith.constant 1 : index
    %get3A_16 = arith.constant 0 : index
    %get3A_17 = arith.constant 0 : index
    %get3A_18 = vector.load %arg1[%get3A_15, %get3A_16, %get3A_17] : memref<2x2000x128xf32, #tpu.memory_space<vmem>>, vector<1x2000x128xf32>
    %get3A_19 = vector.shape_cast %get3A_18 : vector<1x2000x128xf32> to vector<2000x128xf32>
    %add3A_20 = arith.addf %get3A_14, %get3A_19 : vector<2000x128xf32>
    %get3A_21 = arith.constant 0 : index
    %get3A_22 = arith.constant 0 : index
    %get3A_23 = vector.load %arg2[%get3A_21, %get3A_22] : memref<2000x128xf32, #tpu.memory_space<vmem>>, vector<2000x128xf32>
    %add3A_24 = arith.addf %add3A_20, %get3A_23 : vector<2000x128xf32>
    %mul3A = vector.broadcast %broadcast_in_dim3A : vector<2000x1xf32> to vector<2000x128xf32>
    %mul3A_25 = arith.mulf %add3A_24, %mul3A : vector<2000x128xf32>
    %get3A_26 = arith.constant 0 : index
    %get3A_27 = arith.constant 0 : index
    %get3A_28 = vector.load %arg4[%get3A_26, %get3A_27] : memref<1x128xf32, #tpu.memory_space<vmem>>, vector<1x128xf32>
    %add3A_29 = vector.broadcast %get3A_28 : vector<1x128xf32> to vector<2000x128xf32>
    %add3A_30 = arith.addf %mul3A_25, %add3A_29 : vector<2000x128xf32>
    %ge3A = arith.constant 0.000000e+00 : f32
    %ge3A_31 = vector.broadcast %ge3A : f32 to vector<2000x128xf32>
    %ge3A_32 = arith.cmpf oge, %add3A_30, %ge3A_31 : vector<2000x128xf32>
    %mul3A_33 = arith.constant 2.000000e-01 : f32
    %mul3A_34 = vector.broadcast %mul3A_33 : f32 to vector<2000x128xf32>
    %mul3A_35 = arith.mulf %mul3A_34, %add3A_30 : vector<2000x128xf32>
    %select_n3A = arith.select %ge3A_32, %add3A_30, %mul3A_35 : vector<2000x128xi1>, vector<2000x128xf32>
    %get3A_36 = arith.constant 0 : index
    %get3A_37 = arith.constant 0 : index
    %get3A_38 = vector.load %arg10[%get3A_36, %get3A_37] : memref<1x128xf32, #tpu.memory_space<vmem>>, vector<1x128xf32>
    %reduce_sum3A = arith.constant dense<0.000000e+00> : vector<128xf32>
    %reduce_sum3A_39 = vector.multi_reduction <add>, %select_n3A, %reduce_sum3A [0] : vector<2000x128xf32> to vector<128xf32>
    %broadcast_in_dim3A_40 = vector.shape_cast %reduce_sum3A_39 : vector<128xf32> to vector<1x128xf32>
    %add3A_41 = arith.addf %get3A_38, %broadcast_in_dim3A_40 : vector<1x128xf32>
    %swap3A = arith.constant 0 : index
    %swap3A_42 = arith.constant 0 : index
    %swap3A_43 = vector.load %arg10[%swap3A, %swap3A_42] : memref<1x128xf32, #tpu.memory_space<vmem>>, vector<1x128xf32>
    tpu.vector_store %arg10[%swap3A, %swap3A_42], %add3A_41 {strides = array<i32>} : memref<1x128xf32, #tpu.memory_space<vmem>>, vector<1x128xf32>,
    %eq3A_44 = arith.constant 4 : i32
    %eq3A_45 = arith.cmpi eq, %arg0, %eq3A_44 : i32
    %convert_element_type3A_46 = arith.extui %eq3A_45 : i1 to i32
    %cond3A_47 = arith.constant 0 : i32
    %cond3A_48 = arith.cmpi ne, %convert_element_type3A_46, %cond3A_47 : i32
    scf.if %cond3A_48 {
      %get3A_49 = arith.constant 0 : index
      %get3A_50 = arith.constant 0 : index
      %get3A_51 = vector.load %arg10[%get3A_49, %get3A_50] : memref<1x128xf32, #tpu.memory_space<vmem>>, vector<1x128xf32>
      %div3A = arith.constant 1.000000e+04 : f32
      %div3A_52 = vector.broadcast %div3A : f32 to vector<1x128xf32>
      %div3A_53 = arith.divf %get3A_51, %div3A_52 : vector<1x128xf32>
      %get3A_54 = arith.constant 0 : index
      %get3A_55 = arith.constant 0 : index
      %get3A_56 = vector.load %arg5[%get3A_54, %get3A_55] : memref<128x128xf32, #tpu.memory_space<vmem>>, vector<128x128xf32>
      %dot_general3A = arith.constant dense<0.000000e+00> : vector<1x128xf32>
      %dot_general3A_57 = tpu.matmul %div3A_53, %get3A_56, %dot_general3A {dimension_numbers = #tpu.dot_dimension_numbers<[1], [1], [0], [0], [0, 0, 1, 0], [], []>, transpose_lhs_hint = false} : vector<1x128xf32>, vector<128x128xf32>, vector<1x128xf32> -> vector<1x128xf32>
      %get3A_58 = arith.constant 0 : index
      %get3A_59 = arith.constant 0 : index
      %get3A_60 = vector.load %arg8[%get3A_58, %get3A_59] : memref<3x128xf32, #tpu.memory_space<vmem>>, vector<1x128xf32>
      %add3A_61 = arith.addf %dot_general3A_57, %get3A_60 : vector<1x128xf32>
      %ge3A_62 = arith.constant 0.000000e+00 : f32
      %ge3A_63 = vector.broadcast %ge3A_62 : f32 to vector<1x128xf32>
      %ge3A_64 = arith.cmpf oge, %add3A_61, %ge3A_63 : vector<1x128xf32>
      %mul3A_65 = arith.constant 2.000000e-01 : f32
      %mul3A_66 = vector.broadcast %mul3A_65 : f32 to vector<1x128xf32>
      %mul3A_67 = arith.mulf %mul3A_66, %add3A_61 : vector<1x128xf32>
      %select_n3A_68 = arith.select %ge3A_64, %add3A_61, %mul3A_67 : vector<1x128xi1>, vector<1x128xf32>
      %get3A_69 = arith.constant 0 : index
      %get3A_70 = arith.constant 0 : index
      %get3A_71 = vector.load %arg6[%get3A_69, %get3A_70] : memref<128x128xf32, #tpu.memory_space<vmem>>, vector<128x128xf32>
      %dot_general3A_72 = arith.constant dense<0.000000e+00> : vector<1x128xf32>
      %dot_general3A_73 = tpu.matmul %select_n3A_68, %get3A_71, %dot_general3A_72 {dimension_numbers = #tpu.dot_dimension_numbers<[1], [1], [0], [0], [0, 0, 1, 0], [], []>, transpose_lhs_hint = false} : vector<1x128xf32>, vector<128x128xf32>, vector<1x128xf32> -> vector<1x128xf32>
      %get3A_74 = arith.constant 1 : index
      %get3A_75 = arith.constant 0 : index
      %get3A_76 = vector.load %arg8[%get3A_74, %get3A_75] : memref<3x128xf32, #tpu.memory_space<vmem>>, vector<1x128xf32>
      %add3A_77 = arith.addf %dot_general3A_73, %get3A_76 : vector<1x128xf32>
      %ge3A_78 = arith.constant 0.000000e+00 : f32
      %ge3A_79 = vector.broadcast %ge3A_78 : f32 to vector<1x128xf32>
      %ge3A_80 = arith.cmpf oge, %add3A_77, %ge3A_79 : vector<1x128xf32>
      %mul3A_81 = arith.constant 2.000000e-01 : f32
      %mul3A_82 = vector.broadcast %mul3A_81 : f32 to vector<1x128xf32>
      %mul3A_83 = arith.mulf %mul3A_82, %add3A_77 : vector<1x128xf32>
      %select_n3A_84 = arith.select %ge3A_80, %add3A_77, %mul3A_83 : vector<1x128xi1>, vector<1x128xf32>
      %get3A_85 = arith.constant 0 : index
      %get3A_86 = arith.constant 0 : index
      %get3A_87 = vector.load %arg7[%get3A_85, %get3A_86] : memref<128x128xf32, #tpu.memory_space<vmem>>, vector<128x128xf32>
      %dot_general3A_88 = arith.constant dense<0.000000e+00> : vector<1x128xf32>
      %dot_general3A_89 = tpu.matmul %select_n3A_84, %get3A_87, %dot_general3A_88 {dimension_numbers = #tpu.dot_dimension_numbers<[1], [1], [0], [0], [0, 0, 1, 0], [], []>, transpose_lhs_hint = false} : vector<1x128xf32>, vector<128x128xf32>, vector<1x128xf32> -> vector<1x128xf32>
      %get3A_90 = arith.constant 2 : index
      %get3A_91 = arith.constant 0 : index
      %get3A_92 = vector.load %arg8[%get3A_90, %get3A_91] : memref<3x128xf32, #tpu.memory_space<vmem>>, vector<1x128xf32>
      %add3A_93 = arith.addf %dot_general3A_89, %get3A_92 : vector<1x128xf32>
      %slice3A_94 = vector.extract_strided_slice %add3A_93 {offsets = [0, 0], sizes = [1, 1], strides = [1, 1]} : vector<1x128xf32> to vector<1x1xf32>
      %swap3A_95 = arith.constant 0 : index
      %swap3A_96 = arith.constant 0 : index
      %swap3A_97 = vector.load %arg9[%swap3A_95, %swap3A_96] : memref<1x1xf32, #tpu.memory_space<vmem>>, vector<1x1xf32>
      tpu.vector_store %arg9[%swap3A_95, %swap3A_96], %slice3A_94 {strides = array<i32>} : memref<1x1xf32, #tpu.memory_space<vmem>>, vector<1x1xf32>,
    } else {
    }
    return
  }
  func.func @transform_0(%arg0: i32) -> (i32, i32, i32) {
    %c0_i32 = arith.constant 0 : i32
    %c0_i32_0 = arith.constant 0 : i32
    %c0_i32_1 = arith.constant 0 : i32
    return %c0_i32, %arg0, %c0_i32_0 : i32, i32, i32
  }
  func.func @transform_1(%arg0: i32) -> (i32, i32) {
    %c0_i32 = arith.constant 0 : i32
    %c0_i32_0 = arith.constant 0 : i32
    return %arg0, %c0_i32 : i32, i32
  }
  func.func @transform_2(%arg0: i32) -> (i32, i32, i32) {
    %c0_i32 = arith.constant 0 : i32
    %c0_i32_0 = arith.constant 0 : i32
    %c0_i32_1 = arith.constant 0 : i32
    return %c0_i32, %arg0, %c0_i32_0 : i32, i32, i32
  }
  func.func @transform_3(%arg0: i32) -> (i32, i32) {
    %c0_i32 = arith.constant 0 : i32
    %c0_i32_0 = arith.constant 0 : i32
    %c0_i32_1 = arith.constant 0 : i32
    return %c0_i32, %c0_i32_0 : i32, i32
  }
  func.func @transform_4(%arg0: i32) -> (i32, i32) {
    %c0_i32 = arith.constant 0 : i32
    %c0_i32_0 = arith.constant 0 : i32
    %c0_i32_1 = arith.constant 0 : i32
    return %c0_i32, %c0_i32_0 : i32, i32
  }
  func.func @transform_5(%arg0: i32) -> (i32, i32) {
    %c0_i32 = arith.constant 0 : i32
    %c0_i32_0 = arith.constant 0 : i32
    %c0_i32_1 = arith.constant 0 : i32
    return %c0_i32, %c0_i32_0 : i32, i32
  }
  func.func @transform_6(%arg0: i32) -> (i32, i32) {
    %c0_i32 = arith.constant 0 : i32
    %c0_i32_0 = arith.constant 0 : i32
    %c0_i32_1 = arith.constant 0 : i32
    return %c0_i32, %c0_i32_0 : i32, i32
  }
  func.func @transform_7(%arg0: i32) -> (i32, i32) {
    %c0_i32 = arith.constant 0 : i32
    %c0_i32_0 = arith.constant 0 : i32
    %c0_i32_1 = arith.constant 0 : i32
    return %c0_i32, %c0_i32_0 : i32, i32
  }
  func.func @transform_8(%arg0: i32) -> (i32, i32) {
    %c0_i32 = arith.constant 0 : i32
    %c0_i32_0 = arith.constant 0 : i32
    %c0_i32_1 = arith.constant 0 : i32
    return %c0_i32, %c0_i32_0 : i32, i32
  }
}

</mosaic_0001>

<sc_bundles>
// kernel: kernel.12.cloned.1.call-start
scs
__scs_entry_jumppad:
0x0: {  	(pc) =	sbr.rel $0x88, $3  }
0x1: {  	(tag) =	ssettag $0x0;
	lr =	simm.s32 $0x1  }
0x2: {  	[smem:$0x3F95] =	sst lr;
	_ =	strace $0xD0000000  }
0x3: {  	_ = 	snop  }
0x4: {  	_ = 	snop  }
0x5: {  	_ = 	snop  }
0x6: {  	_ = 	snop  }
0x7: {  	_ = 	snop  }
__scs_overlays_trampoline_lowered:
0x8: {  	[smem:$0x3FA4] =	sst s0  }
0x9: {  	[smem:$0x3FA5] =	sst s1  }
0xa: {  	[smem:$0x3FA6] =	sst s2  }
0xb: {  	[smem:$0x3FA7] =	sst s3  }
0xc: {  	[smem:$0x3FA8] =	sst s4  }
0xd: {  	[smem:$0x3FA9] =	sst s5  }
0xe: {  	[smem:$0x3FAA] =	sst s6  }
0xf: {  	[smem:$0x3FAB] =	sst s7  }
0x10: {  	[smem:$0x3FAC] =	sst s8  }
0x11: {  	[smem:$0x3FAD] =	sst s9;
	s0 =	simm.s32 @!p0 $0x0  }
0x12: {  	s1 =	sld [smem:$0x3F93];
	s0 =	simm.s32 @p0 $0x1  }
0x13: {  	[smem:$0x3FAE] =	sst s0;
	s0 =	simm.s32 @!p1 $0x0  }
0x14: {  	s2 =	sld [smem:$0x3F92];
	s0 =	simm.s32 @p1 $0x1  }
0x15: {  	[smem:$0x3FAF] =	sst s0;
	s0 =	simm.s32 @!p2 $0x0  }
0x16: {  	s3 =	sld [smem:$0x3FDB];
	s0 =	simm.s32 @p2 $0x1  }
0x17: {  	s4 =	simm.s32 $0x1BF5;
	[smem:$0x3FB1] =	sst s0  }
0x18: {  	s0 =	sld [smem:$0x3F94];
	_ =	swait.ge [sflag:s4], $0x0  }
0x19: {  	s7 =	sld [smem:$0x3F95]  }
0x1a: {  	s8 =	sadd.s32 $0xFFFFE003, lr  }
0x1b: {  	s9 =	sadd.s32 $0xFFFFFEF7, lr;
	s5 =	simm.s32 $0xFFFFFFFF;
	p2 =	slt.u32 s8, $0xFFFFF086  }
0x1c: {  	p1 =	slt.u32 s9, $0xF7A;
	s5 =	simm.s32 @!p2 $0x0  }
0x1d: {  	s5 =	simm.s32 @p1 $0x1;
	p0 =	seq.s32 s7, s2  }
0x1e: {  	s7 =	smul.u32 @!p0 $0xF7A, s2;
	p2 =	seq.s32 @!p0 s5, $0x0  }
0x1f: {  	s9 =	smul.u32 $0xF7A, s1;
	s8 =	simm.s32 @!p0 $0x1BF5;
	p2 =	por !p2, p0  }
0x20: {  	[sflag:s8] =	ssyncset.s32 @!p0 $0xFFFFF086;
	s6 =	sadd.s32 @!p0 s3, s7;
	s7 =	simm.s32 @!p0 $0x108  }
0x21: {  	s3 =	sadd.s32 s3, s9;
	s6 =	sadd.s32 @!p0 $0x88, s6;
	s7 =	simm.s32 @p2 $0x1082  }
0x22: {  	[simem:s7], [sflag:s8] =	dma.local @!p0 [hbm:s6], $0xF7A  }
0x23: {  	s9 =	sor.u32 $0xD0000000, s2;
	s6 =	simm.s32 $0x108;
	_ =	swait.ge @!p0 [sflag:s8], $0x0  }
0x24: {  	s3 =	sadd.s32 $0x88, s3;
	s6 =	simm.s32 @!p1 $0x1082;
	[sflag:s4] =	ssyncset.s32 $0xFFFFF086  }
0x25: {  	[simem:s6], [sflag:s4] =	dma.local [hbm:s3], $0xF7A  }
0x26: {  	[smem:$0x3F95] =	sst s1;
	(tag) =	ssettag s2;
	_ =	strace s9  }
0x27: {  	s1 =	sld [smem:$0x3FA5]  }
0x28: {  	s2 =	sld [smem:$0x3FA6]  }
0x29: {  	s4 =	sld [smem:$0x3FA8]  }
0x2a: {  	p0 =	seq.s32 s5, $0x0;
	s5 =	sld [smem:$0x3FA9]  }
0x2b: {  	s6 =	sld [smem:$0x3FAA]  }
0x2c: {  	s7 =	sld [smem:$0x3FAB]  }
0x2d: {  	s3 =	simm.s32 $0x108;
	s8 =	sld [smem:$0x3FAC]  }
0x2e: {  	s3 =	simm.s32 @!p0 $0x1082;
	s9 =	sld [smem:$0x3FAD]  }
0x2f: {  	lr =	sadd.s32 s0, s3;
	s0 =	sld [smem:$0x3FA4]  }
0x30: {  	s3 =	sld [smem:$0x3FA7]  }
0x31: {  	[smem:$0x3FB0] =	sst s10  }
0x32: {  	s10 =	sld [smem:$0x3FAE];
	_ =	sdelay $0x3  }
0x33: {  	p0 =	seq.s32 s10, $0x1;
	s10 =	sld [smem:$0x3FB0];
	_ =	sdelay $0x3  }
0x34: {  	[smem:$0x3FB0] =	sst s10  }
0x35: {  	s10 =	sld [smem:$0x3FAF];
	_ =	sdelay $0x3  }
0x36: {  	p1 =	seq.s32 s10, $0x1;
	s10 =	sld [smem:$0x3FB0];
	_ =	sdelay $0x3  }
0x37: {  	[smem:$0x3FB0] =	sst s10  }
0x38: {  	s10 =	sld [smem:$0x3FB1]  }
0x39: {  	_ = 	snop;
	(pc) =	sbr.ind lr, $3  }
0x3a: {  	_ = 	snop  }
0x3b: {  	_ = 	snop  }
0x3c: {  	p2 =	seq.s32 s10, $0x1;
	s10 =	sld [smem:$0x3FB0]  }
0x3d: {  	_ =	shalt  }
0x3e: {  	_ =	shalt  }
0x3f: {  	_ =	shalt  }
0x40: {  	_ =	shalt  }
0x41: {  	_ =	shalt  }
0x42: {  	_ =	shalt  }
0x43: {  	_ =	shalt  }
0x44: {  	_ =	shalt  }
0x45: {  	_ =	shalt  }
0x46: {  	_ =	shalt  }
0x47: {  	_ =	shalt  }
0x48: {  	_ =	shalt  }
0x49: {  	_ =	shalt  }
0x4a: {  	_ =	shalt  }
0x4b: {  	_ =	shalt  }
0x4c: {  	_ =	shalt  }
0x4d: {  	_ =	shalt  }
0x4e: {  	_ =	shalt  }
0x4f: {  	_ =	shalt  }
0x50: {  	_ =	shalt  }
0x51: {  	_ =	shalt  }
0x52: {  	_ =	shalt  }
0x53: {  	_ =	shalt  }
0x54: {  	_ =	shalt  }
0x55: {  	_ =	shalt  }
0x56: {  	_ =	shalt  }
0x57: {  	_ =	shalt  }
0x58: {  	_ =	shalt  }
0x59: {  	_ =	shalt  }
0x5a: {  	_ =	shalt  }
0x5b: {  	_ =	shalt  }
0x5c: {  	_ =	shalt  }
0x5d: {  	_ =	shalt  }
0x5e: {  	_ =	shalt  }
0x5f: {  	_ =	shalt  }
0x60: {  	_ =	shalt  }
0x61: {  	_ =	shalt  }
0x62: {  	_ =	shalt  }
0x63: {  	_ =	shalt  }
0x64: {  	_ =	shalt  }
0x65: {  	_ =	shalt  }
0x66: {  	_ =	shalt  }
0x67: {  	_ =	shalt  }
0x68: {  	_ =	shalt  }
0x69: {  	_ =	shalt  }
0x6a: {  	_ =	shalt  }
0x6b: {  	_ =	shalt  }
0x6c: {  	_ =	shalt  }
0x6d: {  	_ =	shalt  }
0x6e: {  	_ =	shalt  }
0x6f: {  	_ =	shalt  }
0x70: {  	_ =	shalt  }
0x71: {  	_ =	shalt  }
0x72: {  	_ =	shalt  }
0x73: {  	_ =	shalt  }
0x74: {  	_ =	shalt  }
0x75: {  	_ =	shalt  }
0x76: {  	_ =	shalt  }
0x77: {  	_ =	shalt  }
0x78: {  	_ =	shalt  }
0x79: {  	_ =	shalt  }
0x7a: {  	_ =	shalt  }
0x7b: {  	_ =	shalt  }
0x7c: {  	_ =	shalt  }
0x7d: {  	_ =	shalt  }
0x7e: {  	_ =	shalt  }
0x7f: {  	_ =	shalt  }
0x80: {  	_ =	shalt  }
0x81: {  	_ =	shalt  }
0x82: {  	_ =	shalt  }
0x83: {  	_ =	shalt  }
0x84: {  	_ =	shalt  }
0x85: {  	_ =	shalt  }
0x86: {  	_ =	shalt  }
0x87: {  	_ =	shalt  }
.Lfunc_end0:
.L_simem_size_0:
called_computation.1_lowered:
.L_overlay_start_0:
0x88: {  	s2 =	sld [smem:$0x3FD9]  }
0x89: {  	s3 =	sld [smem:$0x3FFE];
	_ =	sdelay $0x1  }
0x8a: {  	s1 =	srdreg.scid  }
0x8b: {  	s0 =	sand.u32 $0x1, s1  }
0x8c: {  	s16 =	sshll.u32 s0, $0xA;
	s2 =	sadd.s32 s3, s2  }
0x8d: {  	s2 =	sadd.s32 s2, s16  }
0x8e: {  	[smem:$0x3FBC] =	sst s2  }
0x8f: {  	_ = 	snop  }
0x90: {  	(tm) =	ssettm $0x1  }
0x91: {  	s17 =	sld [smem:$0x3FFB];
	_ =	sdelay $0x3  }
0x92: {  	_ =	strace s17  }
0x93: {  	s2 =	sld [smem:$0x3FFC];
	_ =	sdelay $0x3  }
0x94: {  	_ =	strace s2  }
0x95: {  	s2 =	sld [smem:$0x3FFD];
	_ =	sdelay $0x3  }
0x96: {  	_ =	strace s2  }
0x97: {  	_ =	strace $0x8FFFFFFF  }
0x98: {  	s18 =	sld [smem:$0x3FDB];
	_ =	sdelay $0x1  }
0x99: {  	s19 =	simm.s32 $_scs_section_size  }
0x9a: {  	s4 =	simm.s32 $_size__tile_overlayer_lowered;
	s5 =	simm.s32 $_tile_overlayer_lowered  }
0x9b: {  	s22 =	simm.s32 $0x1BFF;
	s21 =	sshll.u32 s5, $0x1;
	s2 =	sadd.s32 s19, s18  }
0x9c: {  	s6 =	simm.s32 $0x0;
	s20 =	sshll.u32 s4, $0x1;
	s4 =	sadd.s32 s21, s2  }
0x9d: {  	[timem:s6], [sflag:s22] =	dma.local [hbm:s4], s20  }
0x9e: {  	_ =	swait.ge [sflag:s22], s20  }
0x9f: {  	s3 =	ssub.s32 $0x0, s20;
	[sflag:s22] =	ssyncset.done $0x0  }
0xa0: {  	[sflag:s22] =	ssyncadd.s32 s3;
	_ =	sdelay $0x1  }
0xa1: {  	s23 =	simm.s32 $0x1B8B  }
0xa2: {  	_ =	swait.ge [sflag:s23], $0x1  }
0xa3: {  	[sflag:s23] =	ssyncset.done $0x0  }
0xa4: {  	s25 =	simm.s32 $0x1B8E;
	s24 =	sld [smem:$0x3FFE];
	[sflag:s23] =	ssyncadd.s32 $0xFFFFFFFF  }
0xa5: {  	s26 =	simm.s32 $execute0_lowered;
	[smem:$0x3FD2] =	sst s25  }
0xa6: {  	s4 =	sshll.u32 s26, $0x1;
	_ =	strace $0x80000049;
	[dreg:$0x1] =	wrdreg $0xFFFFFFFF  }
0xa7: {  	s28 =	simm.s32 $_size_execute0_lowered;
	s2 =	sadd.s32 s2, s4;
	[dreg:$0x0] =	wrdreg $0x0  }
0xa8: {  	s4 =	sshll.u32 s28, $0x1;
	[dreg:$0x2] =	wrdreg s2  }
0xa9: {  	[dreg:$0x3] =	wrdreg s4  }
0xaa: {  	[dreg:$0x4] =	wrdreg $0xC0  }
0xab: {  	_ =	task [dreg:s6], $0x5FFFF  }
0xac: {  	[dreg:$0x1] =	wrdreg $0xFFFFFFFF  }
0xad: {  	[dreg:$0x0] =	wrdreg $0x60  }
0xae: {  	[dreg:$0x2] =	wrdreg s24  }
0xaf: {  	[dreg:$0x3] =	wrdreg $0x52000  }
0xb0: {  	[dreg:$0x4] =	wrdreg $0x9  }
0xb1: {  	_ =	task.clear_ibuf [dreg:s6], $0x5FFFF;
	_ =	strace $0x90000049  }
0xb2: {  	s29 =	simm.s32 $0x9;
	_ =	strace $0x8000004B  }
0xb3: {  	_ =	swait.ge [sflag:s29], $0x1  }
0xb4: {  	[sflag:s29] =	ssyncadd.s32 $0xFFFFFFFF  }
0xb5: {  	_ =	strace $0x9000004B  }
0xb6: {  	_ =	sfence  }
0xb7: {  	s30 =	sld [smem:$0x0];
	_ =	sdelay $0x2  }
0xb8: {  	s31 =	sshll.u32 s1, $0xD;
	s1 =	sshrl.u32 s1, $0x2  }
0xb9: {  	s3 =	sand.u32 $0x4000, s31;
	s1 =	sadd.s32 s1, s30  }
0xba: {  	s0 =	sor.u32 s3, s0;
	s1 =	sshll.u32 s1, $0x11  }
0xbb: {  	s0 =	sor.u32 s1, s0  }
0xbc: {  	s0 =	sadd.s32 $0x8F2B, s0  }
0xbd: {  	[sflag:s0] =	ssyncadd.remote.s32 $0x1  }
0xbe: {  	_ =	sfence.sel $0xFFFF  }
0xbf: {  	[dreg:$0x0] =	wrdreg $0xFFFFFFFF;
	(pc) =	sbr.abs _section_cstart, $3  }
0xc0: {  	[dreg:$0x1] =	wrdreg $0xFFFFFFFF  }
0xc1: {  	_ =	task.clear_ibuf [dreg:s6], $0x2FFFF;
	_ =	strace $0x9FFFFFFF  }
0xc2: {  	(tm) =	ssettm $0x7FFFFFFF  }
0xc3: {  	_ =	shalt  }
tec
execute0_lowered:
.L_overlay_start_1:
0x0: {  	(tag) =	ssettag $0x1  }
0x1: {  	s0 =	rddreg [dreg:$0x0]  }
0x2: {  	s1 =	rddreg [dreg:$0x1];
	s3 =	simm.s32 $0x0;
	s2 =	srdreg.scid  }
0x3: {  	s10 =	stileid.u32;
	s28 =	simm.s32 $0x3;
	s29 =	simm.s32 $0x4  }
0x4: {  	s30 =	simm.s32 $0x2A00;
	s31 =	simm.s32 $0x5;
	[smem:$0x7FF] =	sst s3  }
0x5: {  	s2 =	sand.u32 $0x1, s2;
	s4 =	sadd.s32 $0x67000, s0;
	s8 =	smul.u32 $0x13C00, s10  }
0x6: {  	s5 =	sadd.s32 $0x3400, s0;
	s6 =	sadd.s32 $0xD200, s0;
	s12 =	smul.u32 $0x4F000, s10  }
0x7: {  	s11 =	sadd.s32 $0x8E200, s0;
	s13 =	smul.u32 $0x2710, s10;
	s25 =	sshll.u32 s10, $0x6  }
0x8: {  	s7 =	smul.u32 $0x13C000, s2;
	_ =	strace $0x8000004A;
	s9 =	sshll.u32 s2, $0x4  }
0x9: {  	[dreg:$0x3] =	wrdreg s11;
	s19 =	ssub.s32 $0x2, s2;
	s2 =	smul.u32 $0x27100, s2  }
0xa: {  	s18 =	sor.u32 s10, s9;
	s20 =	sshrl.u32 s19, $0x1;
	s24 =	sshrl.u32 s12, $0x2  }
0xb: {  	s12 =	sor.u32 $0x1C07, s25;
	s25 =	simm.s32 $0x50;
	s7 =	sadd.s32 s8, s7  }
0xc: {  	s8 =	smul.u32 $0x2710, s18;
	s2 =	sadd.s32 s13, s2;
	s7 =	sshrl.u32 s7, $0x3  }
0xd: {  	s18 =	simm.s32 $0x80;
	s15 =	sadd.s32 $0xF0, s2;
	s0 =	sadd.s32 s7, s0  }
0xe: {  	s7 =	ssub.s32 s19, s20;
	s8 =	sshrl.u32 s8, $0x3;
	s26 =	sshrl.u32 s15, $0x3  }
0xf: {  	s19 =	simm.s32 $0x100;
	s20 =	simm.s32 $0x180;
	s21 =	sadd.s32 s5, s8  }
0x10: {  	s22 =	sadd.s32 $0xA, s8;
	s8 =	sadd.s32 s6, s8;
	s13 =	sadd.s32 $0x90A00, s0  }
0x11: {  	s14 =	smax.u32 s7, $0x1;
	s15 =	sadd.s32 s26, s6;
	s16 =	sadd.s32 s26, s5  }
.Ltmp0:
0x12: {  	s7 =	sadd.s32 $0xA0, s2;
	s26 =	simm.s32 $0x200;
	(pc) =	sbr.rel .LBB2_1-.Ltmp0, $4  }
0x13: {  	s0 =	simm.s32 $0x6;
	s2 =	simm.s32 $0x0;
	[dreg:$0x4] =	wrdreg s21  }
0x14: {  	[dreg:$0x5] =	wrdreg s8;
	s23 =	sadd.s32 s5, s22;
	s11 =	sadd.s32 s6, s22  }
0x15: {  	s8 =	sadd.s32 s24, s1;
	s22 =	simm.s32 $0x7;
	s24 =	simm.s32 $0x2  }
0x16: {  	[dreg:$0x6] =	wrdreg s23;
	s21 =	sshrl.u32 s8, $0x3;
	s23 =	simm.s32 $0x1  }
.LBB2_4:
0x17: {  	_ =	swait.ge [sflag:s31], $0x2800  }
0x18: {  	[sflag:s31] =	ssyncset.done $0x0  }
0x19: {  	[sflag:s31] =	ssyncadd.s32 $0xFFFFD800  }
0x1a: {  	[spmem:s1] =	stream.indirect.scatter.add.f32 [tilespmem:s26], [sflag:$0x7], $0x80, s18, s25, $0xb8;
	[tilespmem:$0x18E00] =	vst v63  }
0x1b: {  	_ =	swait.ge [sflag:s22], $0x2800  }
0x1c: {  	s2 =	sadd.s32 $0x1, s2;
	[sflag:s22] =	ssyncset.done $0x0  }
0x1d: {  	p0 =	sne.s32 s2, s14;
	[sflag:s22] =	ssyncadd.s32 $0xFFFFD800  }
.Ltmp1:
0x1e: {  	[bflag:$0x0] =	sbarrier.arrive $0xFFFF;
	(pc) =	sbr.rel @!p0 .LBB2_5-.Ltmp1, $4  }
0x1f: {  	[hbm:s13], [sflag:s12] =	dma.local [spmem:s21], $0x2780  }
0x20: {  	_ =	swait.ge [sflag:s22], $0x2780  }
0x21: {  	[sflag:s22] =	ssyncset.done $0x0  }
0x22: {  	[sflag:s22] =	ssyncadd.s32 $0xFFFFD880  }
.LBB2_1:
0x23: {  	s8 =	rddreg [dreg:$0x4]  }
0x24: {  	[tilespmem:s3], [sflag:$0x1] =	stream.linear.gather [hbm4b:s8+s3], $0x50, $0x38;
	[tilespmem:$0x18E00] =	vst v63  }
0x25: {  	s9 =	rddreg [dreg:$0x5]  }
0x26: {  	[tilespmem:s18], [sflag:$0x2] =	stream.linear.gather [hbm4b:s9+s3], $0x50, $0x38;
	[tilespmem:$0x18E00] =	vst v63  }
0x27: {  	s10 =	rddreg [dreg:$0x6]  }
0x28: {  	[tilespmem:s19], [sflag:$0x3] =	stream.linear.gather [hbm4b:s10+s3], $0x50, $0x38;
	[tilespmem:$0x18E00] =	vst v63  }
0x29: {  	s17 =	rddreg [dreg:$0x3]  }
0x2a: {  	[tilespmem:s20], [sflag:$0x4] =	stream.linear.gather [hbm4b:s11+s3], $0x50, $0x38;
	[tilespmem:$0x18E00] =	vst v63  }
0x2b: {  	[spmem:s21], [sflag:s12] =	dma.local [hbm:s17], $0x2780  }
0x2c: {  	_ =	swait.ge [sflag:s22], $0x2780  }
0x2d: {  	[sflag:s22] =	ssyncset.done $0x0  }
0x2e: {  	[sflag:s22] =	ssyncadd.s32 $0xFFFFD880  }
0x2f: {  	_ =	swait.ge [sflag:s23], $0x50  }
0x30: {  	[sflag:s23] =	ssyncset.done $0x0  }
0x31: {  	[sflag:s23] =	ssyncadd.s32 $0xFFFFFFB0  }
0x32: {  	_ =	swait.ge [sflag:s24], $0x50  }
0x33: {  	[sflag:s24] =	ssyncset.done $0x0  }
0x34: {  	[sflag:s24] =	ssyncadd.s32 $0xFFFFFFB0  }
0x35: {  	s8 =	simm.s32 $0x0;
	s17 =	smov.u32 s7;
	[bflag:$0x0] =	sbarrier.arrive $0xFFFF  }
0x36: {  	[tilespmem:s26], [sflag:$0x5] =	stream.indirect.gather [hbm4b:s4+s25], $0x80, s3, s25, $0xb8;
	[tilespmem:$0x18E00] =	vst v63  }
.LBB2_2:
0x37: {  	_ =	swait.ge [sflag:s28], $0x50  }
0x38: {  	[sflag:s28] =	ssyncset.done $0x0  }
0x39: {  	[sflag:s28] =	ssyncadd.s32 $0xFFFFFFB0  }
0x3a: {  	_ =	swait.ge [sflag:s29], $0x50  }
0x3b: {  	[sflag:s29] =	ssyncset.done $0x0  }
0x3c: {  	[sflag:s29] =	ssyncadd.s32 $0xFFFFFFB0  }
0x3d: {  	[tilespmem:s30], [sflag:$0x6] =	stream.indirect.gather [hbm4b:s4+s25], $0x80, s19, s25, $0xb8;
	[tilespmem:$0x18E00] =	vst v63  }
0x3e: {  	_ =	swait.ge [sflag:s31], $0x2800  }
0x3f: {  	[sflag:s31] =	ssyncset.done $0x0  }
0x40: {  	[sflag:s31] =	ssyncadd.s32 $0xFFFFD800  }
0x41: {  	[spmem:s1] =	stream.indirect.scatter.add.f32 [tilespmem:s26], [sflag:$0x7], $0x80, s18, s25, $0xb8;
	[tilespmem:$0x18E00] =	vst v63  }
0x42: {  	_ =	swait.ge [sflag:s22], $0x2800  }
0x43: {  	s9 =	sshrl.u32 s17, $0x3;
	[sflag:s22] =	ssyncset.done $0x0  }
0x44: {  	s10 =	sadd.s32 s5, s9;
	[sflag:s22] =	ssyncadd.s32 $0xFFFFD800  }
0x45: {  	[tilespmem:s3], [sflag:$0x1] =	stream.linear.gather [hbm4b:s10+s3], $0x50, $0x38;
	[tilespmem:$0x18E00] =	vst v63  }
0x46: {  	s9 =	sadd.s32 s6, s9  }
0x47: {  	[tilespmem:s18], [sflag:$0x2] =	stream.linear.gather [hbm4b:s9+s3], $0x50, $0x38;
	[tilespmem:$0x18E00] =	vst v63  }
0x48: {  	_ =	swait.ge [sflag:s23], $0x50  }
0x49: {  	[sflag:s23] =	ssyncset.done $0x0  }
0x4a: {  	[sflag:s23] =	ssyncadd.s32 $0xFFFFFFB0  }
0x4b: {  	_ =	swait.ge [sflag:s24], $0x50  }
0x4c: {  	[sflag:s24] =	ssyncset.done $0x0  }
0x4d: {  	[sflag:s24] =	ssyncadd.s32 $0xFFFFFFB0  }
0x4e: {  	[tilespmem:s26], [sflag:$0x5] =	stream.indirect.gather [hbm4b:s4+s25], $0x80, s3, s25, $0xb8;
	[tilespmem:$0x18E00] =	vst v63  }
0x4f: {  	_ =	swait.ge [sflag:s0], $0x2800  }
0x50: {  	p0 =	seq.s32 s8, $0x4C4;
	[sflag:s0] =	ssyncset.done $0x0  }
.Ltmp2:
0x51: {  	[sflag:s0] =	ssyncadd.s32 $0xFFFFD800;
	(pc) =	sbr.rel @p0 .LBB2_4-.Ltmp2, $4  }
0x52: {  	[spmem:s1] =	stream.indirect.scatter.add.f32 [tilespmem:s30], [sflag:$0x7], $0x80, s20, s25, $0xb8;
	[tilespmem:$0x18E00] =	vst v63  }
0x53: {  	_ =	swait.ge [sflag:s22], $0x2800  }
0x54: {  	[sflag:s22] =	ssyncset.done $0x0  }
0x55: {  	[sflag:s22] =	ssyncadd.s32 $0xFFFFD800  }
.Ltmp3:
0x56: {  	(pc) =	sbr.rel .LBB2_2-.Ltmp3, $4  }
0x57: {  	s9 =	sadd.s32 s8, s16  }
0x58: {  	[tilespmem:s19], [sflag:$0x3] =	stream.linear.gather [hbm4b:s9+s3], $0x50, $0x38;
	[tilespmem:$0x18E00] =	vst v63  }
0x59: {  	s10 =	sadd.s32 s8, s15;
	s8 =	sadd.s32 $0x14, s8;
	s17 =	sadd.s32 $0xA0, s17  }
0x5a: {  	[tilespmem:s20], [sflag:$0x4] =	stream.linear.gather [hbm4b:s10+s3], $0x50, $0x38;
	[tilespmem:$0x18E00] =	vst v63  }
.LBB2_5:
0x5b: {  	_ =	sfence.sel $0x180000  }
0x5c: {  	[bflag:$0x0] =	sbarrier.arrive $0xFFFF  }
0x5d: {  	_ =	strace $0x9000004A  }
0x5e: {  	s0 =	stileid.u32;
	[bflag:$0x2] =	sbarrier.arrive $0xFFFF  }
0x5f: {  	p0 =	sne.s32 s0, $0x0;
	s0 =	rddreg [dreg:$0x2]  }
0x60: {  	s0 =	sadd.s32 @!p0 $0x100000, s0  }
0x61: {  	[sflag:s0] =	ssyncadd.tile.s32 @!p0 $0x1;
	_ =	shalt  }
.Lfunc_end2:
_tile_overlayer_lowered:
.L_overlay_start_2:
0x62: {  	(tag) =	ssettag $0x2  }
0x63: {  	s0 =	rddreg [dreg:$0x0];
	s2 =	stileid.u32  }
0x64: {  	s1 =	rddreg [dreg:$0x1];
	p0 =	sne.s32 s2, $0x0  }
0x65: {  	s3 =	rddreg [dreg:$0x2];
	[bflag:$0x3] =	sbarrier.arrive $0xFFFF;
	s2 =	simm.s32 @!p0 $0x1C07  }
0x66: {  	[timem:s3], [sflag:s2] =	dma.local @!p0 [hbm:s0], s1  }
0x67: {  	s0 =	simm.s32 @!p0 $0x7  }
0x68: {  	_ =	swait.ge @!p0 [sflag:s0], s1  }
0x69: {  	s1 =	ssub.s32 @!p0 $0x0, s1;
	[sflag:s0] =	ssyncset.done @!p0 $0x0  }
0x6a: {  	[sflag:s0] =	ssyncadd.s32 @!p0 s1  }
0x6b: {  	[bflag:$0x3] =	sbarrier.arrive $0xFFFF  }
0x6c: {  	_ =	shalt  }

// kernel: kernel.15.cloned.1.call-start
scs
__scs_entry_jumppad:
0x0: {  	(pc) =	sbr.rel $0x88, $3  }
0x1: {  	(tag) =	ssettag $0x0;
	lr =	simm.s32 $0x1  }
0x2: {  	[smem:$0x3F95] =	sst lr;
	_ =	strace $0xD0000000  }
0x3: {  	_ = 	snop  }
0x4: {  	_ = 	snop  }
0x5: {  	_ = 	snop  }
0x6: {  	_ = 	snop  }
0x7: {  	_ = 	snop  }
__scs_overlays_trampoline_lowered:
0x8: {  	[smem:$0x3FA4] =	sst s0  }
0x9: {  	[smem:$0x3FA5] =	sst s1  }
0xa: {  	[smem:$0x3FA6] =	sst s2  }
0xb: {  	[smem:$0x3FA7] =	sst s3  }
0xc: {  	[smem:$0x3FA8] =	sst s4  }
0xd: {  	[smem:$0x3FA9] =	sst s5  }
0xe: {  	[smem:$0x3FAA] =	sst s6  }
0xf: {  	[smem:$0x3FAB] =	sst s7  }
0x10: {  	[smem:$0x3FAC] =	sst s8  }
0x11: {  	[smem:$0x3FAD] =	sst s9;
	s0 =	simm.s32 @!p0 $0x0  }
0x12: {  	s1 =	sld [smem:$0x3F93];
	s0 =	simm.s32 @p0 $0x1  }
0x13: {  	[smem:$0x3FAE] =	sst s0;
	s0 =	simm.s32 @!p1 $0x0  }
0x14: {  	s2 =	sld [smem:$0x3F92];
	s0 =	simm.s32 @p1 $0x1  }
0x15: {  	[smem:$0x3FAF] =	sst s0;
	s0 =	simm.s32 @!p2 $0x0  }
0x16: {  	s3 =	sld [smem:$0x3FDB];
	s0 =	simm.s32 @p2 $0x1  }
0x17: {  	s4 =	simm.s32 $0x1BF5;
	[smem:$0x3FB1] =	sst s0  }
0x18: {  	s0 =	sld [smem:$0x3F94];
	_ =	swait.ge [sflag:s4], $0x0  }
0x19: {  	s7 =	sld [smem:$0x3F95]  }
0x1a: {  	s8 =	sadd.s32 $0xFFFFE003, lr  }
0x1b: {  	s9 =	sadd.s32 $0xFFFFFEF7, lr;
	s5 =	simm.s32 $0xFFFFFFFF;
	p2 =	slt.u32 s8, $0xFFFFF086  }
0x1c: {  	p1 =	slt.u32 s9, $0xF7A;
	s5 =	simm.s32 @!p2 $0x0  }
0x1d: {  	s5 =	simm.s32 @p1 $0x1;
	p0 =	seq.s32 s7, s2  }
0x1e: {  	s7 =	smul.u32 @!p0 $0xF7A, s2;
	p2 =	seq.s32 @!p0 s5, $0x0  }
0x1f: {  	s9 =	smul.u32 $0xF7A, s1;
	s8 =	simm.s32 @!p0 $0x1BF5;
	p2 =	por !p2, p0  }
0x20: {  	[sflag:s8] =	ssyncset.s32 @!p0 $0xFFFFF086;
	s6 =	sadd.s32 @!p0 s3, s7;
	s7 =	simm.s32 @!p0 $0x108  }
0x21: {  	s3 =	sadd.s32 s3, s9;
	s6 =	sadd.s32 @!p0 $0x88, s6;
	s7 =	simm.s32 @p2 $0x1082  }
0x22: {  	[simem:s7], [sflag:s8] =	dma.local @!p0 [hbm:s6], $0xF7A  }
0x23: {  	s9 =	sor.u32 $0xD0000000, s2;
	s6 =	simm.s32 $0x108;
	_ =	swait.ge @!p0 [sflag:s8], $0x0  }
0x24: {  	s3 =	sadd.s32 $0x88, s3;
	s6 =	simm.s32 @!p1 $0x1082;
	[sflag:s4] =	ssyncset.s32 $0xFFFFF086  }
0x25: {  	[simem:s6], [sflag:s4] =	dma.local [hbm:s3], $0xF7A  }
0x26: {  	[smem:$0x3F95] =	sst s1;
	(tag) =	ssettag s2;
	_ =	strace s9  }
0x27: {  	s1 =	sld [smem:$0x3FA5]  }
0x28: {  	s2 =	sld [smem:$0x3FA6]  }
0x29: {  	s4 =	sld [smem:$0x3FA8]  }
0x2a: {  	p0 =	seq.s32 s5, $0x0;
	s5 =	sld [smem:$0x3FA9]  }
0x2b: {  	s6 =	sld [smem:$0x3FAA]  }
0x2c: {  	s7 =	sld [smem:$0x3FAB]  }
0x2d: {  	s3 =	simm.s32 $0x108;
	s8 =	sld [smem:$0x3FAC]  }
0x2e: {  	s3 =	simm.s32 @!p0 $0x1082;
	s9 =	sld [smem:$0x3FAD]  }
0x2f: {  	lr =	sadd.s32 s0, s3;
	s0 =	sld [smem:$0x3FA4]  }
0x30: {  	s3 =	sld [smem:$0x3FA7]  }
0x31: {  	[smem:$0x3FB0] =	sst s10  }
0x32: {  	s10 =	sld [smem:$0x3FAE];
	_ =	sdelay $0x3  }
0x33: {  	p0 =	seq.s32 s10, $0x1;
	s10 =	sld [smem:$0x3FB0];
	_ =	sdelay $0x3  }
0x34: {  	[smem:$0x3FB0] =	sst s10  }
0x35: {  	s10 =	sld [smem:$0x3FAF];
	_ =	sdelay $0x3  }
0x36: {  	p1 =	seq.s32 s10, $0x1;
	s10 =	sld [smem:$0x3FB0];
	_ =	sdelay $0x3  }
0x37: {  	[smem:$0x3FB0] =	sst s10  }
0x38: {  	s10 =	sld [smem:$0x3FB1]  }
0x39: {  	_ = 	snop;
	(pc) =	sbr.ind lr, $3  }
0x3a: {  	_ = 	snop  }
0x3b: {  	_ = 	snop  }
0x3c: {  	p2 =	seq.s32 s10, $0x1;
	s10 =	sld [smem:$0x3FB0]  }
0x3d: {  	_ =	shalt  }
0x3e: {  	_ =	shalt  }
0x3f: {  	_ =	shalt  }
0x40: {  	_ =	shalt  }
0x41: {  	_ =	shalt  }
0x42: {  	_ =	shalt  }
0x43: {  	_ =	shalt  }
0x44: {  	_ =	shalt  }
0x45: {  	_ =	shalt  }
0x46: {  	_ =	shalt  }
0x47: {  	_ =	shalt  }
0x48: {  	_ =	shalt  }
0x49: {  	_ =	shalt  }
0x4a: {  	_ =	shalt  }
0x4b: {  	_ =	shalt  }
0x4c: {  	_ =	shalt  }
0x4d: {  	_ =	shalt  }
0x4e: {  	_ =	shalt  }
0x4f: {  	_ =	shalt  }
0x50: {  	_ =	shalt  }
0x51: {  	_ =	shalt  }
0x52: {  	_ =	shalt  }
0x53: {  	_ =	shalt  }
0x54: {  	_ =	shalt  }
0x55: {  	_ =	shalt  }
0x56: {  	_ =	shalt  }
0x57: {  	_ =	shalt  }
0x58: {  	_ =	shalt  }
0x59: {  	_ =	shalt  }
0x5a: {  	_ =	shalt  }
0x5b: {  	_ =	shalt  }
0x5c: {  	_ =	shalt  }
0x5d: {  	_ =	shalt  }
0x5e: {  	_ =	shalt  }
0x5f: {  	_ =	shalt  }
0x60: {  	_ =	shalt  }
0x61: {  	_ =	shalt  }
0x62: {  	_ =	shalt  }
0x63: {  	_ =	shalt  }
0x64: {  	_ =	shalt  }
0x65: {  	_ =	shalt  }
0x66: {  	_ =	shalt  }
0x67: {  	_ =	shalt  }
0x68: {  	_ =	shalt  }
0x69: {  	_ =	shalt  }
0x6a: {  	_ =	shalt  }
0x6b: {  	_ =	shalt  }
0x6c: {  	_ =	shalt  }
0x6d: {  	_ =	shalt  }
0x6e: {  	_ =	shalt  }
0x6f: {  	_ =	shalt  }
0x70: {  	_ =	shalt  }
0x71: {  	_ =	shalt  }
0x72: {  	_ =	shalt  }
0x73: {  	_ =	shalt  }
0x74: {  	_ =	shalt  }
0x75: {  	_ =	shalt  }
0x76: {  	_ =	shalt  }
0x77: {  	_ =	shalt  }
0x78: {  	_ =	shalt  }
0x79: {  	_ =	shalt  }
0x7a: {  	_ =	shalt  }
0x7b: {  	_ =	shalt  }
0x7c: {  	_ =	shalt  }
0x7d: {  	_ =	shalt  }
0x7e: {  	_ =	shalt  }
0x7f: {  	_ =	shalt  }
0x80: {  	_ =	shalt  }
0x81: {  	_ =	shalt  }
0x82: {  	_ =	shalt  }
0x83: {  	_ =	shalt  }
0x84: {  	_ =	shalt  }
0x85: {  	_ =	shalt  }
0x86: {  	_ =	shalt  }
0x87: {  	_ =	shalt  }
.Lfunc_end0:
.L_simem_size_0:
called_computation.2_lowered:
.L_overlay_start_0:
0x88: {  	s2 =	sld [smem:$0x3FD9]  }
0x89: {  	s3 =	sld [smem:$0x3FFE];
	_ =	sdelay $0x1  }
0x8a: {  	s1 =	srdreg.scid  }
0x8b: {  	s0 =	sand.u32 $0x1, s1  }
0x8c: {  	s16 =	sshll.u32 s0, $0xA;
	s2 =	sadd.s32 s3, s2  }
0x8d: {  	s2 =	sadd.s32 s2, s16  }
0x8e: {  	[smem:$0x3FBC] =	sst s2  }
0x8f: {  	_ = 	snop  }
0x90: {  	(tm) =	ssettm $0x1  }
0x91: {  	s17 =	sld [smem:$0x3FFB];
	_ =	sdelay $0x3  }
0x92: {  	_ =	strace s17  }
0x93: {  	s2 =	sld [smem:$0x3FFC];
	_ =	sdelay $0x3  }
0x94: {  	_ =	strace s2  }
0x95: {  	s2 =	sld [smem:$0x3FFD];
	_ =	sdelay $0x3  }
0x96: {  	_ =	strace s2  }
0x97: {  	_ =	strace $0x8FFFFFFF  }
0x98: {  	s18 =	sld [smem:$0x3FDB];
	_ =	sdelay $0x1  }
0x99: {  	s19 =	simm.s32 $_scs_section_size  }
0x9a: {  	s4 =	simm.s32 $_size__tile_overlayer_lowered;
	s5 =	simm.s32 $_tile_overlayer_lowered  }
0x9b: {  	s22 =	simm.s32 $0x1BFF;
	s21 =	sshll.u32 s5, $0x1;
	s2 =	sadd.s32 s19, s18  }
0x9c: {  	s6 =	simm.s32 $0x0;
	s20 =	sshll.u32 s4, $0x1;
	s4 =	sadd.s32 s21, s2  }
0x9d: {  	[timem:s6], [sflag:s22] =	dma.local [hbm:s4], s20  }
0x9e: {  	_ =	swait.ge [sflag:s22], s20  }
0x9f: {  	s3 =	ssub.s32 $0x0, s20;
	[sflag:s22] =	ssyncset.done $0x0  }
0xa0: {  	[sflag:s22] =	ssyncadd.s32 s3;
	_ =	sdelay $0x1  }
0xa1: {  	s23 =	simm.s32 $0x1B8B  }
0xa2: {  	_ =	swait.ge [sflag:s23], $0x1  }
0xa3: {  	[sflag:s23] =	ssyncset.done $0x0  }
0xa4: {  	s25 =	simm.s32 $0x1B8E;
	s24 =	sld [smem:$0x3FFE];
	[sflag:s23] =	ssyncadd.s32 $0xFFFFFFFF  }
0xa5: {  	s26 =	simm.s32 $execute0_lowered;
	[smem:$0x3FD2] =	sst s25  }
0xa6: {  	s4 =	sshll.u32 s26, $0x1;
	_ =	strace $0x8000004C;
	[dreg:$0x1] =	wrdreg $0xFFFFFFFF  }
0xa7: {  	s28 =	simm.s32 $_size_execute0_lowered;
	s2 =	sadd.s32 s2, s4;
	[dreg:$0x0] =	wrdreg $0x0  }
0xa8: {  	s4 =	sshll.u32 s28, $0x1;
	[dreg:$0x2] =	wrdreg s2  }
0xa9: {  	[dreg:$0x3] =	wrdreg s4  }
0xaa: {  	[dreg:$0x4] =	wrdreg $0xC0  }
0xab: {  	_ =	task [dreg:s6], $0x5FFFF  }
0xac: {  	[dreg:$0x1] =	wrdreg $0xFFFFFFFF  }
0xad: {  	[dreg:$0x0] =	wrdreg $0x60  }
0xae: {  	[dreg:$0x2] =	wrdreg s24  }
0xaf: {  	[dreg:$0x3] =	wrdreg $0x52000  }
0xb0: {  	[dreg:$0x4] =	wrdreg $0x9  }
0xb1: {  	_ =	task.clear_ibuf [dreg:s6], $0x5FFFF;
	_ =	strace $0x9000004C  }
0xb2: {  	s29 =	simm.s32 $0x9;
	_ =	strace $0x8000004E  }
0xb3: {  	_ =	swait.ge [sflag:s29], $0x1  }
0xb4: {  	[sflag:s29] =	ssyncadd.s32 $0xFFFFFFFF  }
0xb5: {  	_ =	strace $0x9000004E  }
0xb6: {  	_ =	sfence  }
0xb7: {  	s30 =	sld [smem:$0x0];
	_ =	sdelay $0x2  }
0xb8: {  	s31 =	sshll.u32 s1, $0xD;
	s1 =	sshrl.u32 s1, $0x2  }
0xb9: {  	s3 =	sand.u32 $0x4000, s31;
	s1 =	sadd.s32 s1, s30  }
0xba: {  	s0 =	sor.u32 s3, s0;
	s1 =	sshll.u32 s1, $0x11  }
0xbb: {  	s0 =	sor.u32 s1, s0  }
0xbc: {  	s0 =	sadd.s32 $0x8F2B, s0  }
0xbd: {  	[sflag:s0] =	ssyncadd.remote.s32 $0x1  }
0xbe: {  	_ =	sfence.sel $0xFFFF  }
0xbf: {  	[dreg:$0x0] =	wrdreg $0xFFFFFFFF;
	(pc) =	sbr.abs _section_cstart, $3  }
0xc0: {  	[dreg:$0x1] =	wrdreg $0xFFFFFFFF  }
0xc1: {  	_ =	task.clear_ibuf [dreg:s6], $0x2FFFF;
	_ =	strace $0x9FFFFFFF  }
0xc2: {  	(tm) =	ssettm $0x7FFFFFFF  }
0xc3: {  	_ =	shalt  }
tec
execute0_lowered:
.L_overlay_start_1:
0x0: {  	(tag) =	ssettag $0x1  }
0x1: {  	s0 =	rddreg [dreg:$0x0]  }
0x2: {  	s1 =	rddreg [dreg:$0x1];
	s3 =	simm.s32 $0x0;
	s2 =	srdreg.scid  }
0x3: {  	s10 =	stileid.u32;
	s28 =	simm.s32 $0x3;
	s29 =	simm.s32 $0x4  }
0x4: {  	s30 =	simm.s32 $0x2A00;
	s31 =	simm.s32 $0x5;
	[smem:$0x7FF] =	sst s3  }
0x5: {  	s2 =	sand.u32 $0x1, s2;
	s4 =	sadd.s32 $0x67000, s0;
	s8 =	smul.u32 $0x13C00, s10  }
0x6: {  	s5 =	sadd.s32 $0x3400, s0;
	s6 =	sadd.s32 $0xD200, s0;
	s12 =	smul.u32 $0x4F000, s10  }
0x7: {  	s11 =	sadd.s32 $0x8E200, s0;
	s13 =	smul.u32 $0x2710, s10;
	s25 =	sshll.u32 s10, $0x6  }
0x8: {  	s7 =	smul.u32 $0x13C000, s2;
	_ =	strace $0x8000004D;
	s9 =	sshll.u32 s2, $0x4  }
0x9: {  	[dreg:$0x3] =	wrdreg s11;
	s19 =	ssub.s32 $0x2, s2;
	s2 =	smul.u32 $0x27100, s2  }
0xa: {  	s18 =	sor.u32 s10, s9;
	s20 =	sshrl.u32 s19, $0x1;
	s24 =	sshrl.u32 s12, $0x2  }
0xb: {  	s12 =	sor.u32 $0x1C07, s25;
	s25 =	simm.s32 $0x50;
	s7 =	sadd.s32 s8, s7  }
0xc: {  	s8 =	smul.u32 $0x2710, s18;
	s2 =	sadd.s32 s13, s2;
	s7 =	sshrl.u32 s7, $0x3  }
0xd: {  	s18 =	simm.s32 $0x80;
	s15 =	sadd.s32 $0xF0, s2;
	s0 =	sadd.s32 s7, s0  }
0xe: {  	s7 =	ssub.s32 s19, s20;
	s8 =	sshrl.u32 s8, $0x3;
	s26 =	sshrl.u32 s15, $0x3  }
0xf: {  	s19 =	simm.s32 $0x100;
	s20 =	simm.s32 $0x180;
	s21 =	sadd.s32 s5, s8  }
0x10: {  	s22 =	sadd.s32 $0xA, s8;
	s8 =	sadd.s32 s6, s8;
	s13 =	sadd.s32 $0x90A00, s0  }
0x11: {  	s14 =	smax.u32 s7, $0x1;
	s15 =	sadd.s32 s26, s6;
	s16 =	sadd.s32 s26, s5  }
.Ltmp0:
0x12: {  	s7 =	sadd.s32 $0xA0, s2;
	s26 =	simm.s32 $0x200;
	(pc) =	sbr.rel .LBB2_1-.Ltmp0, $4  }
0x13: {  	s0 =	simm.s32 $0x6;
	s2 =	simm.s32 $0x0;
	[dreg:$0x4] =	wrdreg s21  }
0x14: {  	[dreg:$0x5] =	wrdreg s8;
	s23 =	sadd.s32 s5, s22;
	s11 =	sadd.s32 s6, s22  }
0x15: {  	s8 =	sadd.s32 s24, s1;
	s22 =	simm.s32 $0x7;
	s24 =	simm.s32 $0x2  }
0x16: {  	[dreg:$0x6] =	wrdreg s23;
	s21 =	sshrl.u32 s8, $0x3;
	s23 =	simm.s32 $0x1  }
.LBB2_4:
0x17: {  	_ =	swait.ge [sflag:s31], $0x2800  }
0x18: {  	[sflag:s31] =	ssyncset.done $0x0  }
0x19: {  	[sflag:s31] =	ssyncadd.s32 $0xFFFFD800  }
0x1a: {  	[spmem:s1] =	stream.indirect.scatter.add.f32 [tilespmem:s26], [sflag:$0x7], $0x80, s18, s25, $0xb8;
	[tilespmem:$0x18E00] =	vst v63  }
0x1b: {  	_ =	swait.ge [sflag:s22], $0x2800  }
0x1c: {  	s2 =	sadd.s32 $0x1, s2;
	[sflag:s22] =	ssyncset.done $0x0  }
0x1d: {  	p0 =	sne.s32 s2, s14;
	[sflag:s22] =	ssyncadd.s32 $0xFFFFD800  }
.Ltmp1:
0x1e: {  	[bflag:$0x0] =	sbarrier.arrive $0xFFFF;
	(pc) =	sbr.rel @!p0 .LBB2_5-.Ltmp1, $4  }
0x1f: {  	[hbm:s13], [sflag:s12] =	dma.local [spmem:s21], $0x2780  }
0x20: {  	_ =	swait.ge [sflag:s22], $0x2780  }
0x21: {  	[sflag:s22] =	ssyncset.done $0x0  }
0x22: {  	[sflag:s22] =	ssyncadd.s32 $0xFFFFD880  }
.LBB2_1:
0x23: {  	s8 =	rddreg [dreg:$0x4]  }
0x24: {  	[tilespmem:s3], [sflag:$0x1] =	stream.linear.gather [hbm4b:s8+s3], $0x50, $0x38;
	[tilespmem:$0x18E00] =	vst v63  }
0x25: {  	s9 =	rddreg [dreg:$0x5]  }
0x26: {  	[tilespmem:s18], [sflag:$0x2] =	stream.linear.gather [hbm4b:s9+s3], $0x50, $0x38;
	[tilespmem:$0x18E00] =	vst v63  }
0x27: {  	s10 =	rddreg [dreg:$0x6]  }
0x28: {  	[tilespmem:s19], [sflag:$0x3] =	stream.linear.gather [hbm4b:s10+s3], $0x50, $0x38;
	[tilespmem:$0x18E00] =	vst v63  }
0x29: {  	s17 =	rddreg [dreg:$0x3]  }
0x2a: {  	[tilespmem:s20], [sflag:$0x4] =	stream.linear.gather [hbm4b:s11+s3], $0x50, $0x38;
	[tilespmem:$0x18E00] =	vst v63  }
0x2b: {  	[spmem:s21], [sflag:s12] =	dma.local [hbm:s17], $0x2780  }
0x2c: {  	_ =	swait.ge [sflag:s22], $0x2780  }
0x2d: {  	[sflag:s22] =	ssyncset.done $0x0  }
0x2e: {  	[sflag:s22] =	ssyncadd.s32 $0xFFFFD880  }
0x2f: {  	_ =	swait.ge [sflag:s23], $0x50  }
0x30: {  	[sflag:s23] =	ssyncset.done $0x0  }
0x31: {  	[sflag:s23] =	ssyncadd.s32 $0xFFFFFFB0  }
0x32: {  	_ =	swait.ge [sflag:s24], $0x50  }
0x33: {  	[sflag:s24] =	ssyncset.done $0x0  }
0x34: {  	[sflag:s24] =	ssyncadd.s32 $0xFFFFFFB0  }
0x35: {  	s8 =	simm.s32 $0x0;
	s17 =	smov.u32 s7;
	[bflag:$0x0] =	sbarrier.arrive $0xFFFF  }
0x36: {  	[tilespmem:s26], [sflag:$0x5] =	stream.indirect.gather [hbm4b:s4+s25], $0x80, s3, s25, $0xb8;
	[tilespmem:$0x18E00] =	vst v63  }
.LBB2_2:
0x37: {  	_ =	swait.ge [sflag:s28], $0x50  }
0x38: {  	[sflag:s28] =	ssyncset.done $0x0  }
0x39: {  	[sflag:s28] =	ssyncadd.s32 $0xFFFFFFB0  }
0x3a: {  	_ =	swait.ge [sflag:s29], $0x50  }
0x3b: {  	[sflag:s29] =	ssyncset.done $0x0  }
0x3c: {  	[sflag:s29] =	ssyncadd.s32 $0xFFFFFFB0  }
0x3d: {  	[tilespmem:s30], [sflag:$0x6] =	stream.indirect.gather [hbm4b:s4+s25], $0x80, s19, s25, $0xb8;
	[tilespmem:$0x18E00] =	vst v63  }
0x3e: {  	_ =	swait.ge [sflag:s31], $0x2800  }
0x3f: {  	[sflag:s31] =	ssyncset.done $0x0  }
0x40: {  	[sflag:s31] =	ssyncadd.s32 $0xFFFFD800  }
0x41: {  	[spmem:s1] =	stream.indirect.scatter.add.f32 [tilespmem:s26], [sflag:$0x7], $0x80, s18, s25, $0xb8;
	[tilespmem:$0x18E00] =	vst v63  }
0x42: {  	_ =	swait.ge [sflag:s22], $0x2800  }
0x43: {  	s9 =	sshrl.u32 s17, $0x3;
	[sflag:s22] =	ssyncset.done $0x0  }
0x44: {  	s10 =	sadd.s32 s5, s9;
	[sflag:s22] =	ssyncadd.s32 $0xFFFFD800  }
0x45: {  	[tilespmem:s3], [sflag:$0x1] =	stream.linear.gather [hbm4b:s10+s3], $0x50, $0x38;
	[tilespmem:$0x18E00] =	vst v63  }
0x46: {  	s9 =	sadd.s32 s6, s9  }
0x47: {  	[tilespmem:s18], [sflag:$0x2] =	stream.linear.gather [hbm4b:s9+s3], $0x50, $0x38;
	[tilespmem:$0x18E00] =	vst v63  }
0x48: {  	_ =	swait.ge [sflag:s23], $0x50  }
0x49: {  	[sflag:s23] =	ssyncset.done $0x0  }
0x4a: {  	[sflag:s23] =	ssyncadd.s32 $0xFFFFFFB0  }
0x4b: {  	_ =	swait.ge [sflag:s24], $0x50  }
0x4c: {  	[sflag:s24] =	ssyncset.done $0x0  }
0x4d: {  	[sflag:s24] =	ssyncadd.s32 $0xFFFFFFB0  }
0x4e: {  	[tilespmem:s26], [sflag:$0x5] =	stream.indirect.gather [hbm4b:s4+s25], $0x80, s3, s25, $0xb8;
	[tilespmem:$0x18E00] =	vst v63  }
0x4f: {  	_ =	swait.ge [sflag:s0], $0x2800  }
0x50: {  	p0 =	seq.s32 s8, $0x4C4;
	[sflag:s0] =	ssyncset.done $0x0  }
.Ltmp2:
0x51: {  	[sflag:s0] =	ssyncadd.s32 $0xFFFFD800;
	(pc) =	sbr.rel @p0 .LBB2_4-.Ltmp2, $4  }
0x52: {  	[spmem:s1] =	stream.indirect.scatter.add.f32 [tilespmem:s30], [sflag:$0x7], $0x80, s20, s25, $0xb8;
	[tilespmem:$0x18E00] =	vst v63  }
0x53: {  	_ =	swait.ge [sflag:s22], $0x2800  }
0x54: {  	[sflag:s22] =	ssyncset.done $0x0  }
0x55: {  	[sflag:s22] =	ssyncadd.s32 $0xFFFFD800  }
.Ltmp3:
0x56: {  	(pc) =	sbr.rel .LBB2_2-.Ltmp3, $4  }
0x57: {  	s9 =	sadd.s32 s8, s16  }
0x58: {  	[tilespmem:s19], [sflag:$0x3] =	stream.linear.gather [hbm4b:s9+s3], $0x50, $0x38;
	[tilespmem:$0x18E00] =	vst v63  }
0x59: {  	s10 =	sadd.s32 s8, s15;
	s8 =	sadd.s32 $0x14, s8;
	s17 =	sadd.s32 $0xA0, s17  }
0x5a: {  	[tilespmem:s20], [sflag:$0x4] =	stream.linear.gather [hbm4b:s10+s3], $0x50, $0x38;
	[tilespmem:$0x18E00] =	vst v63  }
.LBB2_5:
0x5b: {  	_ =	sfence.sel $0x180000  }
0x5c: {  	[bflag:$0x0] =	sbarrier.arrive $0xFFFF  }
0x5d: {  	_ =	strace $0x9000004D  }
0x5e: {  	s0 =	stileid.u32;
	[bflag:$0x2] =	sbarrier.arrive $0xFFFF  }
0x5f: {  	p0 =	sne.s32 s0, $0x0;
	s0 =	rddreg [dreg:$0x2]  }
0x60: {  	s0 =	sadd.s32 @!p0 $0x100000, s0  }
0x61: {  	[sflag:s0] =	ssyncadd.tile.s32 @!p0 $0x1;
	_ =	shalt  }
.Lfunc_end2:
_tile_overlayer_lowered:
.L_overlay_start_2:
0x62: {  	(tag) =	ssettag $0x2  }
0x63: {  	s0 =	rddreg [dreg:$0x0];
	s2 =	stileid.u32  }
0x64: {  	s1 =	rddreg [dreg:$0x1];
	p0 =	sne.s32 s2, $0x0  }
0x65: {  	s3 =	rddreg [dreg:$0x2];
	[bflag:$0x3] =	sbarrier.arrive $0xFFFF;
	s2 =	simm.s32 @!p0 $0x1C07  }
0x66: {  	[timem:s3], [sflag:s2] =	dma.local @!p0 [hbm:s0], s1  }
0x67: {  	s0 =	simm.s32 @!p0 $0x7  }
0x68: {  	_ =	swait.ge @!p0 [sflag:s0], s1  }
0x69: {  	s1 =	ssub.s32 @!p0 $0x0, s1;
	[sflag:s0] =	ssyncset.done @!p0 $0x0  }
0x6a: {  	[sflag:s0] =	ssyncadd.s32 @!p0 s1  }
0x6b: {  	[bflag:$0x3] =	sbarrier.arrive $0xFFFF  }
0x6c: {  	_ =	shalt  }

// kernel: kernel.9.cloned.1.call-start
scs
__scs_entry_jumppad:
0x0: {  	(pc) =	sbr.rel $0x88, $3  }
0x1: {  	(tag) =	ssettag $0x0;
	lr =	simm.s32 $0x1  }
0x2: {  	[smem:$0x3F95] =	sst lr;
	_ =	strace $0xD0000000  }
0x3: {  	_ = 	snop  }
0x4: {  	_ = 	snop  }
0x5: {  	_ = 	snop  }
0x6: {  	_ = 	snop  }
0x7: {  	_ = 	snop  }
__scs_overlays_trampoline_lowered:
0x8: {  	[smem:$0x3FA4] =	sst s0  }
0x9: {  	[smem:$0x3FA5] =	sst s1  }
0xa: {  	[smem:$0x3FA6] =	sst s2  }
0xb: {  	[smem:$0x3FA7] =	sst s3  }
0xc: {  	[smem:$0x3FA8] =	sst s4  }
0xd: {  	[smem:$0x3FA9] =	sst s5  }
0xe: {  	[smem:$0x3FAA] =	sst s6  }
0xf: {  	[smem:$0x3FAB] =	sst s7  }
0x10: {  	[smem:$0x3FAC] =	sst s8  }
0x11: {  	[smem:$0x3FAD] =	sst s9;
	s0 =	simm.s32 @!p0 $0x0  }
0x12: {  	s1 =	sld [smem:$0x3F93];
	s0 =	simm.s32 @p0 $0x1  }
0x13: {  	[smem:$0x3FAE] =	sst s0;
	s0 =	simm.s32 @!p1 $0x0  }
0x14: {  	s2 =	sld [smem:$0x3F92];
	s0 =	simm.s32 @p1 $0x1  }
0x15: {  	[smem:$0x3FAF] =	sst s0;
	s0 =	simm.s32 @!p2 $0x0  }
0x16: {  	s3 =	sld [smem:$0x3FDB];
	s0 =	simm.s32 @p2 $0x1  }
0x17: {  	s4 =	simm.s32 $0x1BF5;
	[smem:$0x3FB1] =	sst s0  }
0x18: {  	s0 =	sld [smem:$0x3F94];
	_ =	swait.ge [sflag:s4], $0x0  }
0x19: {  	s7 =	sld [smem:$0x3F95]  }
0x1a: {  	s8 =	sadd.s32 $0xFFFFE003, lr  }
0x1b: {  	s9 =	sadd.s32 $0xFFFFFEF7, lr;
	s5 =	simm.s32 $0xFFFFFFFF;
	p2 =	slt.u32 s8, $0xFFFFF086  }
0x1c: {  	p1 =	slt.u32 s9, $0xF7A;
	s5 =	simm.s32 @!p2 $0x0  }
0x1d: {  	s5 =	simm.s32 @p1 $0x1;
	p0 =	seq.s32 s7, s2  }
0x1e: {  	s7 =	smul.u32 @!p0 $0xF7A, s2;
	p2 =	seq.s32 @!p0 s5, $0x0  }
0x1f: {  	s9 =	smul.u32 $0xF7A, s1;
	s8 =	simm.s32 @!p0 $0x1BF5;
	p2 =	por !p2, p0  }
0x20: {  	[sflag:s8] =	ssyncset.s32 @!p0 $0xFFFFF086;
	s6 =	sadd.s32 @!p0 s3, s7;
	s7 =	simm.s32 @!p0 $0x108  }
0x21: {  	s3 =	sadd.s32 s3, s9;
	s6 =	sadd.s32 @!p0 $0x88, s6;
	s7 =	simm.s32 @p2 $0x1082  }
0x22: {  	[simem:s7], [sflag:s8] =	dma.local @!p0 [hbm:s6], $0xF7A  }
0x23: {  	s9 =	sor.u32 $0xD0000000, s2;
	s6 =	simm.s32 $0x108;
	_ =	swait.ge @!p0 [sflag:s8], $0x0  }
0x24: {  	s3 =	sadd.s32 $0x88, s3;
	s6 =	simm.s32 @!p1 $0x1082;
	[sflag:s4] =	ssyncset.s32 $0xFFFFF086  }
0x25: {  	[simem:s6], [sflag:s4] =	dma.local [hbm:s3], $0xF7A  }
0x26: {  	[smem:$0x3F95] =	sst s1;
	(tag) =	ssettag s2;
	_ =	strace s9  }
0x27: {  	s1 =	sld [smem:$0x3FA5]  }
0x28: {  	s2 =	sld [smem:$0x3FA6]  }
0x29: {  	s4 =	sld [smem:$0x3FA8]  }
0x2a: {  	p0 =	seq.s32 s5, $0x0;
	s5 =	sld [smem:$0x3FA9]  }
0x2b: {  	s6 =	sld [smem:$0x3FAA]  }
0x2c: {  	s7 =	sld [smem:$0x3FAB]  }
0x2d: {  	s3 =	simm.s32 $0x108;
	s8 =	sld [smem:$0x3FAC]  }
0x2e: {  	s3 =	simm.s32 @!p0 $0x1082;
	s9 =	sld [smem:$0x3FAD]  }
0x2f: {  	lr =	sadd.s32 s0, s3;
	s0 =	sld [smem:$0x3FA4]  }
0x30: {  	s3 =	sld [smem:$0x3FA7]  }
0x31: {  	[smem:$0x3FB0] =	sst s10  }
0x32: {  	s10 =	sld [smem:$0x3FAE];
	_ =	sdelay $0x3  }
0x33: {  	p0 =	seq.s32 s10, $0x1;
	s10 =	sld [smem:$0x3FB0];
	_ =	sdelay $0x3  }
0x34: {  	[smem:$0x3FB0] =	sst s10  }
0x35: {  	s10 =	sld [smem:$0x3FAF];
	_ =	sdelay $0x3  }
0x36: {  	p1 =	seq.s32 s10, $0x1;
	s10 =	sld [smem:$0x3FB0];
	_ =	sdelay $0x3  }
0x37: {  	[smem:$0x3FB0] =	sst s10  }
0x38: {  	s10 =	sld [smem:$0x3FB1]  }
0x39: {  	_ = 	snop;
	(pc) =	sbr.ind lr, $3  }
0x3a: {  	_ = 	snop  }
0x3b: {  	_ = 	snop  }
0x3c: {  	p2 =	seq.s32 s10, $0x1;
	s10 =	sld [smem:$0x3FB0]  }
0x3d: {  	_ =	shalt  }
0x3e: {  	_ =	shalt  }
0x3f: {  	_ =	shalt  }
0x40: {  	_ =	shalt  }
0x41: {  	_ =	shalt  }
0x42: {  	_ =	shalt  }
0x43: {  	_ =	shalt  }
0x44: {  	_ =	shalt  }
0x45: {  	_ =	shalt  }
0x46: {  	_ =	shalt  }
0x47: {  	_ =	shalt  }
0x48: {  	_ =	shalt  }
0x49: {  	_ =	shalt  }
0x4a: {  	_ =	shalt  }
0x4b: {  	_ =	shalt  }
0x4c: {  	_ =	shalt  }
0x4d: {  	_ =	shalt  }
0x4e: {  	_ =	shalt  }
0x4f: {  	_ =	shalt  }
0x50: {  	_ =	shalt  }
0x51: {  	_ =	shalt  }
0x52: {  	_ =	shalt  }
0x53: {  	_ =	shalt  }
0x54: {  	_ =	shalt  }
0x55: {  	_ =	shalt  }
0x56: {  	_ =	shalt  }
0x57: {  	_ =	shalt  }
0x58: {  	_ =	shalt  }
0x59: {  	_ =	shalt  }
0x5a: {  	_ =	shalt  }
0x5b: {  	_ =	shalt  }
0x5c: {  	_ =	shalt  }
0x5d: {  	_ =	shalt  }
0x5e: {  	_ =	shalt  }
0x5f: {  	_ =	shalt  }
0x60: {  	_ =	shalt  }
0x61: {  	_ =	shalt  }
0x62: {  	_ =	shalt  }
0x63: {  	_ =	shalt  }
0x64: {  	_ =	shalt  }
0x65: {  	_ =	shalt  }
0x66: {  	_ =	shalt  }
0x67: {  	_ =	shalt  }
0x68: {  	_ =	shalt  }
0x69: {  	_ =	shalt  }
0x6a: {  	_ =	shalt  }
0x6b: {  	_ =	shalt  }
0x6c: {  	_ =	shalt  }
0x6d: {  	_ =	shalt  }
0x6e: {  	_ =	shalt  }
0x6f: {  	_ =	shalt  }
0x70: {  	_ =	shalt  }
0x71: {  	_ =	shalt  }
0x72: {  	_ =	shalt  }
0x73: {  	_ =	shalt  }
0x74: {  	_ =	shalt  }
0x75: {  	_ =	shalt  }
0x76: {  	_ =	shalt  }
0x77: {  	_ =	shalt  }
0x78: {  	_ =	shalt  }
0x79: {  	_ =	shalt  }
0x7a: {  	_ =	shalt  }
0x7b: {  	_ =	shalt  }
0x7c: {  	_ =	shalt  }
0x7d: {  	_ =	shalt  }
0x7e: {  	_ =	shalt  }
0x7f: {  	_ =	shalt  }
0x80: {  	_ =	shalt  }
0x81: {  	_ =	shalt  }
0x82: {  	_ =	shalt  }
0x83: {  	_ =	shalt  }
0x84: {  	_ =	shalt  }
0x85: {  	_ =	shalt  }
0x86: {  	_ =	shalt  }
0x87: {  	_ =	shalt  }
.Lfunc_end0:
.L_simem_size_0:
called_computation_lowered:
.L_overlay_start_0:
0x88: {  	s2 =	sld [smem:$0x3FD9]  }
0x89: {  	s3 =	sld [smem:$0x3FFE];
	_ =	sdelay $0x1  }
0x8a: {  	s1 =	srdreg.scid  }
0x8b: {  	s0 =	sand.u32 $0x1, s1  }
0x8c: {  	s16 =	sshll.u32 s0, $0xA;
	s2 =	sadd.s32 s3, s2  }
0x8d: {  	s2 =	sadd.s32 s2, s16  }
0x8e: {  	[smem:$0x3FBC] =	sst s2  }
0x8f: {  	_ = 	snop  }
0x90: {  	(tm) =	ssettm $0x1  }
0x91: {  	s17 =	sld [smem:$0x3FFB];
	_ =	sdelay $0x3  }
0x92: {  	_ =	strace s17  }
0x93: {  	s2 =	sld [smem:$0x3FFC];
	_ =	sdelay $0x3  }
0x94: {  	_ =	strace s2  }
0x95: {  	s2 =	sld [smem:$0x3FFD];
	_ =	sdelay $0x3  }
0x96: {  	_ =	strace s2  }
0x97: {  	_ =	strace $0x8FFFFFFF  }
0x98: {  	s18 =	sld [smem:$0x3FDB];
	_ =	sdelay $0x1  }
0x99: {  	s19 =	simm.s32 $_scs_section_size  }
0x9a: {  	s4 =	simm.s32 $_size__tile_overlayer_lowered;
	s5 =	simm.s32 $_tile_overlayer_lowered  }
0x9b: {  	s22 =	simm.s32 $0x1BFF;
	s21 =	sshll.u32 s5, $0x1;
	s2 =	sadd.s32 s19, s18  }
0x9c: {  	s6 =	simm.s32 $0x0;
	s20 =	sshll.u32 s4, $0x1;
	s4 =	sadd.s32 s21, s2  }
0x9d: {  	[timem:s6], [sflag:s22] =	dma.local [hbm:s4], s20  }
0x9e: {  	_ =	swait.ge [sflag:s22], s20  }
0x9f: {  	s3 =	ssub.s32 $0x0, s20;
	[sflag:s22] =	ssyncset.done $0x0  }
0xa0: {  	[sflag:s22] =	ssyncadd.s32 s3;
	_ =	sdelay $0x1  }
0xa1: {  	s23 =	simm.s32 $0x1B8B  }
0xa2: {  	_ =	swait.ge [sflag:s23], $0x1  }
0xa3: {  	[sflag:s23] =	ssyncset.done $0x0  }
0xa4: {  	s25 =	simm.s32 $0x1B8E;
	s24 =	sld [smem:$0x3FFE];
	[sflag:s23] =	ssyncadd.s32 $0xFFFFFFFF  }
0xa5: {  	s26 =	simm.s32 $execute0_lowered;
	[smem:$0x3FD2] =	sst s25  }
0xa6: {  	s4 =	sshll.u32 s26, $0x1;
	_ =	strace $0x80000046;
	[dreg:$0x1] =	wrdreg $0xFFFFFFFF  }
0xa7: {  	s28 =	simm.s32 $_size_execute0_lowered;
	s2 =	sadd.s32 s2, s4;
	[dreg:$0x0] =	wrdreg $0x0  }
0xa8: {  	s4 =	sshll.u32 s28, $0x1;
	[dreg:$0x2] =	wrdreg s2  }
0xa9: {  	[dreg:$0x3] =	wrdreg s4  }
0xaa: {  	[dreg:$0x4] =	wrdreg $0xC0  }
0xab: {  	_ =	task [dreg:s6], $0x5FFFF  }
0xac: {  	[dreg:$0x1] =	wrdreg $0xFFFFFFFF  }
0xad: {  	[dreg:$0x0] =	wrdreg $0x60  }
0xae: {  	[dreg:$0x2] =	wrdreg s24  }
0xaf: {  	[dreg:$0x3] =	wrdreg $0x50000  }
0xb0: {  	[dreg:$0x4] =	wrdreg $0x9  }
0xb1: {  	_ =	task.clear_ibuf [dreg:s6], $0x5FFFF;
	_ =	strace $0x90000046  }
0xb2: {  	s29 =	simm.s32 $0x9;
	_ =	strace $0x80000048  }
0xb3: {  	_ =	swait.ge [sflag:s29], $0x1  }
0xb4: {  	[sflag:s29] =	ssyncadd.s32 $0xFFFFFFFF  }
0xb5: {  	_ =	strace $0x90000048  }
0xb6: {  	_ =	sfence  }
0xb7: {  	s30 =	sld [smem:$0x0];
	_ =	sdelay $0x2  }
0xb8: {  	s31 =	sshll.u32 s1, $0xD;
	s1 =	sshrl.u32 s1, $0x2  }
0xb9: {  	s3 =	sand.u32 $0x4000, s31;
	s1 =	sadd.s32 s1, s30  }
0xba: {  	s0 =	sor.u32 s3, s0;
	s1 =	sshll.u32 s1, $0x11  }
0xbb: {  	s0 =	sor.u32 s1, s0  }
0xbc: {  	s0 =	sadd.s32 $0x8F2B, s0  }
0xbd: {  	[sflag:s0] =	ssyncadd.remote.s32 $0x1  }
0xbe: {  	_ =	sfence.sel $0xFFFF  }
0xbf: {  	[dreg:$0x0] =	wrdreg $0xFFFFFFFF;
	(pc) =	sbr.abs _section_cstart, $3  }
0xc0: {  	[dreg:$0x1] =	wrdreg $0xFFFFFFFF  }
0xc1: {  	_ =	task.clear_ibuf [dreg:s6], $0x2FFFF;
	_ =	strace $0x9FFFFFFF  }
0xc2: {  	(tm) =	ssettm $0x7FFFFFFF  }
0xc3: {  	_ =	shalt  }
tec
execute0_lowered:
.L_overlay_start_1:
0x0: {  	(tag) =	ssettag $0x1  }
0x1: {  	s4 =	rddreg [dreg:$0x0];
	s0 =	srdreg.scid  }
0x2: {  	s1 =	rddreg [dreg:$0x1];
	s12 =	stileid.u32  }
0x3: {  	s2 =	simm.s32 $0x0;
	s10 =	simm.s32 $0x50;
	s11 =	simm.s32 $0x4F80  }
0x4: {  	s14 =	simm.s32 $0x0;
	s3 =	sand.u32 $0x1, s0;
	s0 =	rddreg [dreg:$0x2]  }
0x5: {  	[smem:$0x7FF] =	sst s2;
	s7 =	sshll.u32 s12, $0xA;
	p0 =	sne.s32 s12, $0x0  }
0x6: {  	p1 =	sgt.u32 s12, $0x9;
	s5 =	sshll.u32 s3, $0x4;
	s6 =	smul.u32 $0x2800, s3  }
0x7: {  	_ =	strace $0x80000047;
	s8 =	ssub.s32 $0x2, s3;
	s3 =	sadd.s32 $0x17000, s4  }
0x8: {  	s13 =	sadd.s32 s7, s1;
	s5 =	sor.u32 s12, s5;
	s9 =	sshrl.u32 s8, $0x1  }
0x9: {  	s12 =	sshll.u32 @!p1 s12, $0x6;
	s13 =	sshrl.u32 @!p1 s13, $0x3;
	s5 =	smul.u32 $0x4E2, s5  }
0xa: {  	s6 =	sadd.s32 s7, s6;
	s8 =	ssub.s32 s8, s9;
	s7 =	simm.s32 $0x2780  }
0xb: {  	v0 =	vlaneseq.u32;
	s9 =	sshrl.u32 @!p0 s1, $0x3;
	s6 =	sshrl.u32 s6, $0x3;
	s5 =	sadd.s32 s5, s4  }
0xc: {  	v1 =	vor.u32 $0x10, v0;
	s12 =	sor.u32 @!p1 $0x1C01, s12;
	s6 =	sadd.s32 s6, s4;
	s4 =	sadd.s32 $0xD200, s5  }
0xd: {  	v2 =	vor.u32 $0x20, v0;
	v3 =	vor.u32 $0x30, v0;
	v4 =	vor.u32 $0x40, v0;
	s5 =	sadd.s32 $0x17600, s6;
	s6 =	smax.u32 s8, $0x1;
	s8 =	simm.s32 $0x1  }
.LBB2_1:
0xe: {  	[tilespmem:s7], [sflag:$0x1] =	stream.linear.gather [hbm4b:s3+s2], $0x2800, $0x38;
	[tilespmem:$0x5280] =	vst v63  }
0xf: {  	_ =	swait.ge [sflag:s8], $0x2800  }
0x10: {  	[sflag:s8] =	ssyncset.done $0x0  }
0x11: {  	s15 =	simm.s32 @!p0 $0x1C01;
	[sflag:s8] =	ssyncadd.s32 $0xFFFFD800  }
0x12: {  	[spmem:s9], [sflag:s15] =	dma.local @!p0 [hbm:s3], $0x500  }
0x13: {  	s15 =	simm.s32 @!p0 $0x1  }
0x14: {  	_ =	swait.ge @!p0 [sflag:s15], $0x500  }
0x15: {  	[sflag:s15] =	ssyncset.done @!p0 $0x0  }
0x16: {  	[sflag:s15] =	ssyncadd.s32 @!p0 $0xFFFFFB00  }
0x17: {  	[tilespmem:s2], [sflag:$0x1] =	stream.linear.gather [hbm4b:s4+s2], $0x2710, $0x38;
	[tilespmem:$0x5280] =	vst v63  }
0x18: {  	_ =	swait.ge [sflag:s8], $0x2710  }
0x19: {  	[sflag:s8] =	ssyncset.done $0x0  }
0x1a: {  	[sflag:s8] =	ssyncadd.s32 $0xFFFFD8F0  }
0x1b: {  	[tilespmem:$0x4F80] =	vst v0  }
0x1c: {  	[tilespmem:$0x4F90] =	vst v1  }
0x1d: {  	[tilespmem:$0x4FA0] =	vst v2  }
0x1e: {  	[tilespmem:$0x4FB0] =	vst v3  }
0x1f: {  	s16 =	simm.s32 $0x0;
	s15 =	simm.s32 $0x40;
	[tilespmem:$0x4FC0] =	vst v4  }
.LBB2_2:
0x20: {  	p2 =	sne.s32 s15, $0x9C00;
	v5 =	vld [tilespmem:s16+$0x0];
	_ =	sdelay $0x4  }
0x21: {  	(xrf1) =	vunique.msk.u32 $0xffff, v5;
	_ =	sdelay $0xd  }
0x22: {  	_, v6, vm0 =	vpop (xrf1);
	_ =	sdelay $0x1  }
.Ltmp0:
0x23: {  	(pc) =	sbr.rel @p2 .LBB2_2-.Ltmp0, $3  }
0x24: {  	_ = 	snop  }
0x25: {  	v6 =	vcvt.s32.f32 v6;
	_ =	sdelay $0x1  }
0x26: {  	s16 =	sshra.s32 s15, $0x2;
	s15 =	sadd.s32 $0x40, s15;
	[tilespmem:v5+s7+$0x0] =	vst.idx.add.f32.msk vm0, v6  }
0x27: {  	v5 =	vld [tilespmem:s16+$0x0];
	_ =	sdelay $0x4  }
0x28: {  	(xrf1) =	vunique.msk.u32 $0xffff, v5;
	_ =	sdelay $0xd  }
0x29: {  	_, v6, vm0 =	vpop (xrf1);
	_ =	sdelay $0x3  }
0x2a: {  	v6 =	vcvt.s32.f32 v6;
	_ =	sdelay $0x1  }
0x2b: {  	[tilespmem:v5+s7+$0x0] =	vst.idx.add.f32.msk vm0, v6  }
0x2c: {  	[bflag:$0x0] =	sbarrier.arrive $0xFFFF  }
0x2d: {  	[spmem:s1] =	stream.indirect.scatter.add.f32 [tilespmem:s7], [sflag:$0x1], $0x80, s11, s10, $0xb8;
	[tilespmem:$0x5280] =	vst v63  }
0x2e: {  	_ =	swait.ge [sflag:s8], $0x2800  }
0x2f: {  	s14 =	sadd.s32 $0x1, s14;
	[sflag:s8] =	ssyncset.done $0x0  }
0x30: {  	p2 =	sne.s32 s14, s6;
	[sflag:s8] =	ssyncadd.s32 $0xFFFFD800  }
.Ltmp1:
0x31: {  	s15 =	simm.s32 @!p1 $0x1;
	[bflag:$0x0] =	sbarrier.arrive $0xFFFF;
	(pc) =	sbr.rel @p2 .LBB2_1-.Ltmp1, $4  }
0x32: {  	[hbm:s5], [sflag:s12] =	dma.local @!p1 [spmem:s13], $0x80  }
0x33: {  	_ =	swait.ge @!p1 [sflag:s15], $0x80  }
0x34: {  	[sflag:s15] =	ssyncset.done @!p1 $0x0  }
0x35: {  	[sflag:s15] =	ssyncadd.s32 @!p1 $0xFFFFFF80  }
0x36: {  	_ =	sfence.sel $0x180000  }
0x37: {  	[bflag:$0x0] =	sbarrier.arrive $0xFFFF  }
0x38: {  	_ =	strace $0x90000047  }
0x39: {  	s0 =	sadd.s32 @!p0 $0x100000, s0;
	[bflag:$0x2] =	sbarrier.arrive $0xFFFF  }
0x3a: {  	[sflag:s0] =	ssyncadd.tile.s32 @!p0 $0x1;
	_ =	shalt  }
.Lfunc_end2:
_tile_overlayer_lowered:
.L_overlay_start_2:
0x3b: {  	(tag) =	ssettag $0x2  }
0x3c: {  	s0 =	rddreg [dreg:$0x0];
	s2 =	stileid.u32  }
0x3d: {  	s1 =	rddreg [dreg:$0x1];
	p0 =	sne.s32 s2, $0x0  }
0x3e: {  	s3 =	rddreg [dreg:$0x2];
	[bflag:$0x3] =	sbarrier.arrive $0xFFFF;
	s2 =	simm.s32 @!p0 $0x1C01  }
0x3f: {  	[timem:s3], [sflag:s2] =	dma.local @!p0 [hbm:s0], s1  }
0x40: {  	s0 =	simm.s32 @!p0 $0x1  }
0x41: {  	_ =	swait.ge @!p0 [sflag:s0], s1  }
0x42: {  	s1 =	ssub.s32 @!p0 $0x0, s1;
	[sflag:s0] =	ssyncset.done @!p0 $0x0  }
0x43: {  	[sflag:s0] =	ssyncadd.s32 @!p0 s1  }
0x44: {  	[bflag:$0x3] =	sbarrier.arrive $0xFFFF  }
0x45: {  	_ =	shalt  }

</sc_bundles>
